<compile_context>
chip_gen: v7x
topology: tpu7x:2x2x1
jax: 0.10.2.dev20260603
libtpu: 0.0.44.dev20260713+nightly
codegen_flags: <defaults>
</compile_context>

<pallas_src>
import functools

import jax
import jax.numpy as jnp
from jax import lax
from jax.experimental import pallas as pl
from jax.experimental.pallas import tpu as pltpu
from jax.experimental.pallas import tpu_sc as plsc

D = 32
B = 4096
L = 200

NC = 2
NS = 16
NW = NC * NS
B_PER_W = B // NW
IDX_PER_W = B_PER_W * L

C0 = 96
C1 = 104


def _body(idx_hbm, table_hbm, out_hbm, idx_v, rows_a, rows_b, out_v, sem0, sem1):
    wid = lax.axis_index("s") * NC + lax.axis_index("c")
    base = wid * IDX_PER_W
    pltpu.sync_copy(idx_hbm.at[pl.ds(base, IDX_PER_W)], idx_v)

    def copies(b, buf, sem):
        off = b * L
        c0 = pltpu.make_async_copy(
            table_hbm.at[idx_v.at[pl.ds(off, C0)]], buf.at[pl.ds(0, C0)], sem)
        c1 = pltpu.make_async_copy(
            table_hbm.at[idx_v.at[pl.ds(off + C0, C1)]], buf.at[pl.ds(C0, C1)], sem)
        return c0, c1

    def fire(b, buf, sem):
        c0, c1 = copies(b, buf, sem)
        c0.start()
        c1.start()

    def drain(b, buf, sem):
        c0, c1 = copies(b, buf, sem)
        c0.wait()
        c1.wait()

    def pool_row(b, buf):
        def rbody(j, accs):
            a0, a1, a2, a3 = accs
            a0 = a0 + buf[2 * j, pl.ds(0, 16)]
            a1 = a1 + buf[2 * j, pl.ds(16, 16)]
            a2 = a2 + buf[2 * j + 1, pl.ds(0, 16)]
            a3 = a3 + buf[2 * j + 1, pl.ds(16, 16)]
            return a0, a1, a2, a3

        z = jnp.zeros((16,), jnp.float32)
        a0, a1, a2, a3 = lax.fori_loop(0, L // 2, rbody, (z, z, z, z), unroll=4)
        m0 = (a0 + a2) * jnp.float32(1.0 / L)
        m1 = (a1 + a3) * jnp.float32(1.0 / L)
        ss = plsc.cumsum(m0 * m0 + m1 * m1)[15]
        i = lax.bitcast_convert_type(ss, jnp.int32)
        i = jnp.int32(0x5F3759DF) - lax.shift_right_logical(i, 1)
        y = lax.bitcast_convert_type(i, jnp.float32)
        for _ in range(3):
            y = y * (jnp.float32(1.5) - jnp.float32(0.5) * ss * y * y)
        d = jnp.maximum(ss * y, jnp.float32(1e-12))
        out_v[b, pl.ds(0, 16)] = m0 / d
        out_v[b, pl.ds(16, 16)] = m1 / d

    fire(0, rows_a, sem0)
    fire(1, rows_b, sem1)

    def step(g, carry):
        b0 = 2 * g
        b1 = b0 + 1
        drain(b0, rows_a, sem0)
        pool_row(b0, rows_a)

        @pl.when(b0 + 2 < B_PER_W)
        def _():
            fire(b0 + 2, rows_a, sem0)

        drain(b1, rows_b, sem1)
        pool_row(b1, rows_b)

        @pl.when(b1 + 2 < B_PER_W)
        def _():
            fire(b1 + 2, rows_b, sem1)

        return carry

    lax.fori_loop(0, B_PER_W // 2, step, 0)
    pltpu.sync_copy(out_v, out_hbm.at[pl.ds(wid * B_PER_W, B_PER_W)])


_embed_pool = functools.partial(
    pl.kernel,
    out_type=jax.ShapeDtypeStruct((B, D), jnp.float32),
    mesh=plsc.VectorSubcoreMesh(
        core_axis_name="c", subcore_axis_name="s", num_cores=NC, num_subcores=NS),
    compiler_params=pltpu.CompilerParams(
        needs_layout_passes=False, use_tc_tiling_on_sc=False),
    scratch_types=[
        pltpu.VMEM((IDX_PER_W,), jnp.int32),
        pltpu.VMEM((L, D), jnp.float32),
        pltpu.VMEM((L, D), jnp.float32),
        pltpu.VMEM((B_PER_W, D), jnp.float32),
        pltpu.SemaphoreType.DMA,
        pltpu.SemaphoreType.DMA,
    ],
)(_body)


VOCAB = 1000000
CW = 26624
NBLK = (VOCAB + CW - 1) // CW
VPAD = NBLK * CW
QW = CW // 4


def _transpose_body(t_ref, o_ref):
    t2 = jnp.transpose(t_ref[...])
    w = jnp.concatenate([t2[k * QW:(k + 1) * QW] for k in range(4)], axis=1)
    o_ref[...] = jnp.reshape(w, (CW * D,))


_to_linear = pl.pallas_call(
    _transpose_body,
    grid=(NBLK,),
    in_specs=[pl.BlockSpec((D, CW), lambda i: (0, i))],
    out_specs=pl.BlockSpec((CW * D,), lambda i: (i,)),
    out_shape=jax.ShapeDtypeStruct((VPAD * D,), jnp.float32),
)


def kernel(x, table):
    xi = jnp.reshape(x.astype(jnp.int32), (B * L,))
    u = xi % CW
    xf = (xi - u) + (u % QW) * 4 + u // QW
    tlin = jnp.reshape(_to_linear(table.T), (VPAD, D))
    return _embed_pool(xf, tlin)

# --- scband reference (transcript-rebuilt; emitter-appended) ---
"""Pipeline reference for scband-embed-model-33354716021205 (READ-ONLY COPY).

The authoritative reference and input builder live on the scoring server;
editing this copy changes nothing except your own understanding.
"""

import jax, jax.numpy as jnp
import numpy as np

VOCAB = 1000000
EMBED_DIM = 32
BATCH = 4096
HIST = 200

def setup_inputs(seed: int = 0) -> dict:
    key = jax.random.key(seed)
    k1, k2 = jax.random.split(key)
    x = jax.random.randint(k1, (BATCH, HIST), 0, VOCAB, dtype=jnp.int64) if jax.config.jax_enable_x64 else jax.random.randint(k1, (BATCH, HIST), 0, VOCAB, dtype=jnp.int32)
    table = jax.random.normal(k2, (VOCAB, EMBED_DIM), dtype=jnp.float32)
    return {"x": x, "table": table}

def reference(x, table):
    # embedding lookup (gather)
    emb = jnp.take(table, x, axis=0)            # [B, L, D]
    pooled = emb.mean(axis=1)                    # [B, D]
    # F.normalize(dim=-1): x / max(||x||_2, eps)
    norm = jnp.linalg.norm(pooled, axis=-1, keepdims=True)
    out = pooled / jnp.maximum(norm, 1e-12)
    return out

if __name__ == "__main__":
    import jax
    _d = setup_inputs()
    print(jax.jit(kernel)(*tuple(_d.values())))

</pallas_src>

<mosaic_0001>
#map = affine_map<(d0, d1) -> (0)>
#map1 = affine_map<(d0, d1) -> (0, 0)>
module attributes {stable_mosaic.version = 14 : i64} {
  func.func @_body(%arg0: i32, %arg1: i32, %arg2: memref<819200xi32, #tpu.memory_space<hbm>>, %arg3: memref<1011712x32xf32, #tpu.memory_space<hbm>>, %arg4: memref<4096x32xf32, #tpu.memory_space<hbm>>, %arg5: memref<25600xi32, #tpu.memory_space<vmem>>, %arg6: memref<200x32xf32, #tpu.memory_space<vmem>>, %arg7: memref<200x32xf32, #tpu.memory_space<vmem>>, %arg8: memref<128x32xf32, #tpu.memory_space<vmem>>, %arg9: memref<!tpu.dma_semaphore, #tpu.memory_space<semaphore_mem>>, %arg10: memref<!tpu.dma_semaphore, #tpu.memory_space<semaphore_mem>>) attributes {dimension_semantics = [#tpu.dimension_semantics<core_parallel>, #tpu.dimension_semantics<subcore_parallel>], iteration_bounds = array<i64: 2, 16>, scalar_prefetch = 0 : i64, scratch_operands = 6 : i64, tpu.core_type = #tpu.core_type<sc_vector_subcore>, window_params = [{transform_indices = #map}, {transform_indices = #map1}, {transform_indices = #map1}]} {
    %mul3A = arith.constant 2 : i32
    %mul3A_0 = arith.muli %arg1, %mul3A : i32
    %add3A = arith.addi %mul3A_0, %arg0 : i32
    %mul3A_1 = arith.constant 25600 : i32
    %mul3A_2 = arith.muli %add3A, %mul3A_1 : i32
    "tpu.region"() ({
      %run_scoped3A = tpu.sem_alloc : memref<!tpu.dma_semaphore, #tpu.memory_space<semaphore_mem>>
      %dma_start3A_41 = tpu.memref_slice %arg2[%mul3A_2] : memref<819200xi32, #tpu.memory_space<hbm>> -> memref<25600xi32, #tpu.memory_space<hbm>>
      %dma_start3A_42 = tpu.memref_slice %arg2[%mul3A_2] : memref<819200xi32, #tpu.memory_space<hbm>> -> memref<25600xi32, #tpu.memory_space<hbm>>
      tpu.enqueue_dma source(%dma_start3A_42 : memref<25600xi32, #tpu.memory_space<hbm>>) target(%arg5 : memref<25600xi32, #tpu.memory_space<vmem>>) target_semaphore(%run_scoped3A : memref<!tpu.dma_semaphore, #tpu.memory_space<semaphore_mem>>)
      %dma_wait3A = tpu.memref_slice %arg2[%mul3A_2] : memref<819200xi32, #tpu.memory_space<hbm>> -> memref<25600xi32, #tpu.memory_space<hbm>>
      %dma_wait3A_43 = tpu.memref_slice %arg2[%mul3A_2] : memref<819200xi32, #tpu.memory_space<hbm>> -> memref<25600xi32, #tpu.memory_space<hbm>>
      tpu.wait_dma2 semaphore(%run_scoped3A : memref<!tpu.dma_semaphore, #tpu.memory_space<semaphore_mem>>) src(%dma_wait3A_43 : memref<25600xi32, #tpu.memory_space<hbm>>) dst(%arg5 : memref<25600xi32, #tpu.memory_space<vmem>>)
      tpu.yield
    }) : () -> ()
    %dma_start3A = arith.constant 0 : i32
    %dma_start3A_3 = arith.constant 0 : i32
    %dma_start3A_4 = tpu.memref_slice %arg6[%dma_start3A, %dma_start3A_3] : memref<200x32xf32, #tpu.memory_space<vmem>> -> memref<96x32xf32, #tpu.memory_space<vmem>>
    %dma_start3A_5 = arith.constant 0 : i32
    %dma_start3A_6 = tpu.memref_slice %arg5[%dma_start3A_5] : memref<25600xi32, #tpu.memory_space<vmem>> -> memref<96xi32, #tpu.memory_space<vmem>>
    %dma_start3A_7 = arith.constant 0 : i32
    %dma_start3A_8 = arith.constant 0 : i32
    %dma_start3A_9 = tpu.memref_slice %arg3[%dma_start3A_7, %dma_start3A_8] : memref<1011712x32xf32, #tpu.memory_space<hbm>> -> memref<1011712x32xf32, #tpu.memory_space<hbm>>
    tpu.enqueue_indirect_dma source(%dma_start3A_9 : memref<1011712x32xf32, #tpu.memory_space<hbm>>) target(%dma_start3A_4 : memref<96x32xf32, #tpu.memory_space<vmem>>) offsets(%dma_start3A_6 : memref<96xi32, #tpu.memory_space<vmem>>) semaphore(%arg9 : memref<!tpu.dma_semaphore, #tpu.memory_space<semaphore_mem>>)
    %dma_start3A_10 = arith.constant 96 : i32
    %dma_start3A_11 = arith.constant 0 : i32
    %dma_start3A_12 = tpu.memref_slice %arg6[%dma_start3A_10, %dma_start3A_11] : memref<200x32xf32, #tpu.memory_space<vmem>> -> memref<104x32xf32, #tpu.memory_space<vmem>>
    %dma_start3A_13 = arith.constant 96 : i32
    %dma_start3A_14 = tpu.memref_slice %arg5[%dma_start3A_13] : memref<25600xi32, #tpu.memory_space<vmem>> -> memref<104xi32, #tpu.memory_space<vmem>>
    %dma_start3A_15 = arith.constant 0 : i32
    %dma_start3A_16 = arith.constant 0 : i32
    %dma_start3A_17 = tpu.memref_slice %arg3[%dma_start3A_15, %dma_start3A_16] : memref<1011712x32xf32, #tpu.memory_space<hbm>> -> memref<1011712x32xf32, #tpu.memory_space<hbm>>
    tpu.enqueue_indirect_dma source(%dma_start3A_17 : memref<1011712x32xf32, #tpu.memory_space<hbm>>) target(%dma_start3A_12 : memref<104x32xf32, #tpu.memory_space<vmem>>) offsets(%dma_start3A_14 : memref<104xi32, #tpu.memory_space<vmem>>) semaphore(%arg9 : memref<!tpu.dma_semaphore, #tpu.memory_space<semaphore_mem>>)
    %dma_start3A_18 = arith.constant 0 : i32
    %dma_start3A_19 = arith.constant 0 : i32
    %dma_start3A_20 = tpu.memref_slice %arg7[%dma_start3A_18, %dma_start3A_19] : memref<200x32xf32, #tpu.memory_space<vmem>> -> memref<96x32xf32, #tpu.memory_space<vmem>>
    %dma_start3A_21 = arith.constant 200 : i32
    %dma_start3A_22 = tpu.memref_slice %arg5[%dma_start3A_21] : memref<25600xi32, #tpu.memory_space<vmem>> -> memref<96xi32, #tpu.memory_space<vmem>>
    %dma_start3A_23 = arith.constant 0 : i32
    %dma_start3A_24 = arith.constant 0 : i32
    %dma_start3A_25 = tpu.memref_slice %arg3[%dma_start3A_23, %dma_start3A_24] : memref<1011712x32xf32, #tpu.memory_space<hbm>> -> memref<1011712x32xf32, #tpu.memory_space<hbm>>
    tpu.enqueue_indirect_dma source(%dma_start3A_25 : memref<1011712x32xf32, #tpu.memory_space<hbm>>) target(%dma_start3A_20 : memref<96x32xf32, #tpu.memory_space<vmem>>) offsets(%dma_start3A_22 : memref<96xi32, #tpu.memory_space<vmem>>) semaphore(%arg10 : memref<!tpu.dma_semaphore, #tpu.memory_space<semaphore_mem>>)
    %dma_start3A_26 = arith.constant 96 : i32
    %dma_start3A_27 = arith.constant 0 : i32
    %dma_start3A_28 = tpu.memref_slice %arg7[%dma_start3A_26, %dma_start3A_27] : memref<200x32xf32, #tpu.memory_space<vmem>> -> memref<104x32xf32, #tpu.memory_space<vmem>>
    %dma_start3A_29 = arith.constant 296 : i32
    %dma_start3A_30 = tpu.memref_slice %arg5[%dma_start3A_29] : memref<25600xi32, #tpu.memory_space<vmem>> -> memref<104xi32, #tpu.memory_space<vmem>>
    %dma_start3A_31 = arith.constant 0 : i32
    %dma_start3A_32 = arith.constant 0 : i32
    %dma_start3A_33 = tpu.memref_slice %arg3[%dma_start3A_31, %dma_start3A_32] : memref<1011712x32xf32, #tpu.memory_space<hbm>> -> memref<1011712x32xf32, #tpu.memory_space<hbm>>
    tpu.enqueue_indirect_dma source(%dma_start3A_33 : memref<1011712x32xf32, #tpu.memory_space<hbm>>) target(%dma_start3A_28 : memref<104x32xf32, #tpu.memory_space<vmem>>) offsets(%dma_start3A_30 : memref<104xi32, #tpu.memory_space<vmem>>) semaphore(%arg10 : memref<!tpu.dma_semaphore, #tpu.memory_space<semaphore_mem>>)
    %scan3A = arith.constant 0 : i32
    %scan3A_34 = arith.constant 0 : i32
    %scan3A_35 = arith.constant 64 : i32
    %scan3A_36 = arith.addi %scan3A_34, %scan3A_35 : i32
    %scan3A_37 = arith.constant 1 : i32
    scf.for %scan3A_41 = %scan3A_34 to %scan3A_36 step %scan3A_37  : i32 {
      %mul3A_42 = arith.constant 2 : i32
      %mul3A_43 = arith.muli %mul3A_42, %scan3A_41 : i32
      %add3A_44 = arith.constant 1 : i32
      %add3A_45 = arith.addi %mul3A_43, %add3A_44 : i32
      %mul3A_46 = arith.constant 200 : i32
      %mul3A_47 = arith.muli %mul3A_43, %mul3A_46 : i32
      %add3A_48 = arith.constant 96 : i32
      %add3A_49 = arith.addi %mul3A_47, %add3A_48 : i32
      %dma_wait3A = arith.constant 0 : i32
      %dma_wait3A_50 = arith.constant 0 : i32
      %dma_wait3A_51 = tpu.memref_slice %arg6[%dma_wait3A, %dma_wait3A_50] : memref<200x32xf32, #tpu.memory_space<vmem>> -> memref<96x32xf32, #tpu.memory_space<vmem>>
      %dma_wait3A_52 = tpu.memref_slice %arg5[%mul3A_47] : memref<25600xi32, #tpu.memory_space<vmem>> -> memref<96xi32, #tpu.memory_space<vmem>>
      %dma_wait3A_53 = arith.constant 0 : i32
      %dma_wait3A_54 = arith.constant 0 : i32
      %dma_wait3A_55 = tpu.memref_slice %arg3[%dma_wait3A_53, %dma_wait3A_54] : memref<1011712x32xf32, #tpu.memory_space<hbm>> -> memref<1011712x32xf32, #tpu.memory_space<hbm>>
      tpu.wait_indirect_dma semaphore(%arg9 : memref<!tpu.dma_semaphore, #tpu.memory_space<semaphore_mem>>) src(%dma_wait3A_55 : memref<1011712x32xf32, #tpu.memory_space<hbm>>) dst(%dma_wait3A_51 : memref<96x32xf32, #tpu.memory_space<vmem>>)
      %dma_wait3A_56 = arith.constant 96 : i32
      %dma_wait3A_57 = arith.constant 0 : i32
      %dma_wait3A_58 = tpu.memref_slice %arg6[%dma_wait3A_56, %dma_wait3A_57] : memref<200x32xf32, #tpu.memory_space<vmem>> -> memref<104x32xf32, #tpu.memory_space<vmem>>
      %dma_wait3A_59 = tpu.memref_slice %arg5[%add3A_49] : memref<25600xi32, #tpu.memory_space<vmem>> -> memref<104xi32, #tpu.memory_space<vmem>>
      %dma_wait3A_60 = arith.constant 0 : i32
      %dma_wait3A_61 = arith.constant 0 : i32
      %dma_wait3A_62 = tpu.memref_slice %arg3[%dma_wait3A_60, %dma_wait3A_61] : memref<1011712x32xf32, #tpu.memory_space<hbm>> -> memref<1011712x32xf32, #tpu.memory_space<hbm>>
      tpu.wait_indirect_dma semaphore(%arg9 : memref<!tpu.dma_semaphore, #tpu.memory_space<semaphore_mem>>) src(%dma_wait3A_62 : memref<1011712x32xf32, #tpu.memory_space<hbm>>) dst(%dma_wait3A_58 : memref<104x32xf32, #tpu.memory_space<vmem>>)
      %broadcast_in_dim3A = arith.constant 0.000000e+00 : f32
      %broadcast_in_dim3A_63 = vector.broadcast %broadcast_in_dim3A : f32 to vector<16xf32>
      %scan3A_64 = arith.constant 0 : i32
      %scan3A_65 = arith.constant 100 : i32
      %scan3A_66 = arith.addi %scan3A_64, %scan3A_65 : i32
      %scan3A_67 = arith.constant 4 : i32
      %scan3A_68:4 = scf.for %scan3A_210 = %scan3A_64 to %scan3A_66 step %scan3A_67 iter_args(%scan3A_211 = %broadcast_in_dim3A_63, %scan3A_212 = %broadcast_in_dim3A_63, %scan3A_213 = %broadcast_in_dim3A_63, %scan3A_214 = %broadcast_in_dim3A_63) -> (vector<16xf32>, vector<16xf32>, vector<16xf32>, vector<16xf32>)  : i32 {
        %mul3A_215 = arith.constant 2 : i32
        %mul3A_216 = arith.muli %mul3A_215, %scan3A_210 : i32
        %get3A = arith.index_cast %mul3A_216 : i32 to index
        %get3A_217 = arith.constant 0 : index
        %get3A_218 = tpu.vector_load %arg6[%get3A, %get3A_217] {strides = array<i32>} : memref<200x32xf32, #tpu.memory_space<vmem>>, vector<16xf32>,
        %add3A_219 = arith.addf %scan3A_211, %get3A_218 : vector<16xf32>
        %mul3A_220 = arith.constant 2 : i32
        %mul3A_221 = arith.muli %mul3A_220, %scan3A_210 : i32
        %get3A_222 = arith.index_cast %mul3A_221 : i32 to index
        %get3A_223 = arith.constant 16 : index
        %get3A_224 = tpu.vector_load %arg6[%get3A_222, %get3A_223] {strides = array<i32>} : memref<200x32xf32, #tpu.memory_space<vmem>>, vector<16xf32>,
        %add3A_225 = arith.addf %scan3A_212, %get3A_224 : vector<16xf32>
        %mul3A_226 = arith.constant 2 : i32
        %mul3A_227 = arith.muli %mul3A_226, %scan3A_210 : i32
        %add3A_228 = arith.constant 1 : i32
        %add3A_229 = arith.addi %mul3A_227, %add3A_228 : i32
        %get3A_230 = arith.index_cast %add3A_229 : i32 to index
        %get3A_231 = arith.constant 0 : index
        %get3A_232 = tpu.vector_load %arg6[%get3A_230, %get3A_231] {strides = array<i32>} : memref<200x32xf32, #tpu.memory_space<vmem>>, vector<16xf32>,
        %add3A_233 = arith.addf %scan3A_213, %get3A_232 : vector<16xf32>
        %mul3A_234 = arith.constant 2 : i32
        %mul3A_235 = arith.muli %mul3A_234, %scan3A_210 : i32
        %add3A_236 = arith.constant 1 : i32
        %add3A_237 = arith.addi %mul3A_235, %add3A_236 : i32
        %get3A_238 = arith.index_cast %add3A_237 : i32 to index
        %get3A_239 = arith.constant 16 : index
        %get3A_240 = tpu.vector_load %arg6[%get3A_238, %get3A_239] {strides = array<i32>} : memref<200x32xf32, #tpu.memory_space<vmem>>, vector<16xf32>,
        %add3A_241 = arith.addf %scan3A_214, %get3A_240 : vector<16xf32>
        %scan3A_242 = arith.constant 1 : i32
        %scan3A_243 = arith.addi %scan3A_210, %scan3A_242 : i32
        %mul3A_244 = arith.constant 2 : i32
        %mul3A_245 = arith.muli %mul3A_244, %scan3A_243 : i32
        %get3A_246 = arith.index_cast %mul3A_245 : i32 to index
        %get3A_247 = arith.constant 0 : index
        %get3A_248 = tpu.vector_load %arg6[%get3A_246, %get3A_247] {strides = array<i32>} : memref<200x32xf32, #tpu.memory_space<vmem>>, vector<16xf32>,
        %add3A_249 = arith.addf %add3A_219, %get3A_248 : vector<16xf32>
        %mul3A_250 = arith.constant 2 : i32
        %mul3A_251 = arith.muli %mul3A_250, %scan3A_243 : i32
        %get3A_252 = arith.index_cast %mul3A_251 : i32 to index
        %get3A_253 = arith.constant 16 : index
        %get3A_254 = tpu.vector_load %arg6[%get3A_252, %get3A_253] {strides = array<i32>} : memref<200x32xf32, #tpu.memory_space<vmem>>, vector<16xf32>,
        %add3A_255 = arith.addf %add3A_225, %get3A_254 : vector<16xf32>
        %mul3A_256 = arith.constant 2 : i32
        %mul3A_257 = arith.muli %mul3A_256, %scan3A_243 : i32
        %add3A_258 = arith.constant 1 : i32
        %add3A_259 = arith.addi %mul3A_257, %add3A_258 : i32
        %get3A_260 = arith.index_cast %add3A_259 : i32 to index
        %get3A_261 = arith.constant 0 : index
        %get3A_262 = tpu.vector_load %arg6[%get3A_260, %get3A_261] {strides = array<i32>} : memref<200x32xf32, #tpu.memory_space<vmem>>, vector<16xf32>,
        %add3A_263 = arith.addf %add3A_233, %get3A_262 : vector<16xf32>
        %mul3A_264 = arith.constant 2 : i32
        %mul3A_265 = arith.muli %mul3A_264, %scan3A_243 : i32
        %add3A_266 = arith.constant 1 : i32
        %add3A_267 = arith.addi %mul3A_265, %add3A_266 : i32
        %get3A_268 = arith.index_cast %add3A_267 : i32 to index
        %get3A_269 = arith.constant 16 : index
        %get3A_270 = tpu.vector_load %arg6[%get3A_268, %get3A_269] {strides = array<i32>} : memref<200x32xf32, #tpu.memory_space<vmem>>, vector<16xf32>,
        %add3A_271 = arith.addf %add3A_241, %get3A_270 : vector<16xf32>
        %scan3A_272 = arith.constant 2 : i32
        %scan3A_273 = arith.addi %scan3A_210, %scan3A_272 : i32
        %mul3A_274 = arith.constant 2 : i32
        %mul3A_275 = arith.muli %mul3A_274, %scan3A_273 : i32
        %get3A_276 = arith.index_cast %mul3A_275 : i32 to index
        %get3A_277 = arith.constant 0 : index
        %get3A_278 = tpu.vector_load %arg6[%get3A_276, %get3A_277] {strides = array<i32>} : memref<200x32xf32, #tpu.memory_space<vmem>>, vector<16xf32>,
        %add3A_279 = arith.addf %add3A_249, %get3A_278 : vector<16xf32>
        %mul3A_280 = arith.constant 2 : i32
        %mul3A_281 = arith.muli %mul3A_280, %scan3A_273 : i32
        %get3A_282 = arith.index_cast %mul3A_281 : i32 to index
        %get3A_283 = arith.constant 16 : index
        %get3A_284 = tpu.vector_load %arg6[%get3A_282, %get3A_283] {strides = array<i32>} : memref<200x32xf32, #tpu.memory_space<vmem>>, vector<16xf32>,
        %add3A_285 = arith.addf %add3A_255, %get3A_284 : vector<16xf32>
        %mul3A_286 = arith.constant 2 : i32
        %mul3A_287 = arith.muli %mul3A_286, %scan3A_273 : i32
        %add3A_288 = arith.constant 1 : i32
        %add3A_289 = arith.addi %mul3A_287, %add3A_288 : i32
        %get3A_290 = arith.index_cast %add3A_289 : i32 to index
        %get3A_291 = arith.constant 0 : index
        %get3A_292 = tpu.vector_load %arg6[%get3A_290, %get3A_291] {strides = array<i32>} : memref<200x32xf32, #tpu.memory_space<vmem>>, vector<16xf32>,
        %add3A_293 = arith.addf %add3A_263, %get3A_292 : vector<16xf32>
        %mul3A_294 = arith.constant 2 : i32
        %mul3A_295 = arith.muli %mul3A_294, %scan3A_273 : i32
        %add3A_296 = arith.constant 1 : i32
        %add3A_297 = arith.addi %mul3A_295, %add3A_296 : i32
        %get3A_298 = arith.index_cast %add3A_297 : i32 to index
        %get3A_299 = arith.constant 16 : index
        %get3A_300 = tpu.vector_load %arg6[%get3A_298, %get3A_299] {strides = array<i32>} : memref<200x32xf32, #tpu.memory_space<vmem>>, vector<16xf32>,
        %add3A_301 = arith.addf %add3A_271, %get3A_300 : vector<16xf32>
        %scan3A_302 = arith.constant 3 : i32
        %scan3A_303 = arith.addi %scan3A_210, %scan3A_302 : i32
        %mul3A_304 = arith.constant 2 : i32
        %mul3A_305 = arith.muli %mul3A_304, %scan3A_303 : i32
        %get3A_306 = arith.index_cast %mul3A_305 : i32 to index
        %get3A_307 = arith.constant 0 : index
        %get3A_308 = tpu.vector_load %arg6[%get3A_306, %get3A_307] {strides = array<i32>} : memref<200x32xf32, #tpu.memory_space<vmem>>, vector<16xf32>,
        %add3A_309 = arith.addf %add3A_279, %get3A_308 : vector<16xf32>
        %mul3A_310 = arith.constant 2 : i32
        %mul3A_311 = arith.muli %mul3A_310, %scan3A_303 : i32
        %get3A_312 = arith.index_cast %mul3A_311 : i32 to index
        %get3A_313 = arith.constant 16 : index
        %get3A_314 = tpu.vector_load %arg6[%get3A_312, %get3A_313] {strides = array<i32>} : memref<200x32xf32, #tpu.memory_space<vmem>>, vector<16xf32>,
        %add3A_315 = arith.addf %add3A_285, %get3A_314 : vector<16xf32>
        %mul3A_316 = arith.constant 2 : i32
        %mul3A_317 = arith.muli %mul3A_316, %scan3A_303 : i32
        %add3A_318 = arith.constant 1 : i32
        %add3A_319 = arith.addi %mul3A_317, %add3A_318 : i32
        %get3A_320 = arith.index_cast %add3A_319 : i32 to index
        %get3A_321 = arith.constant 0 : index
        %get3A_322 = tpu.vector_load %arg6[%get3A_320, %get3A_321] {strides = array<i32>} : memref<200x32xf32, #tpu.memory_space<vmem>>, vector<16xf32>,
        %add3A_323 = arith.addf %add3A_293, %get3A_322 : vector<16xf32>
        %mul3A_324 = arith.constant 2 : i32
        %mul3A_325 = arith.muli %mul3A_324, %scan3A_303 : i32
        %add3A_326 = arith.constant 1 : i32
        %add3A_327 = arith.addi %mul3A_325, %add3A_326 : i32
        %get3A_328 = arith.index_cast %add3A_327 : i32 to index
        %get3A_329 = arith.constant 16 : index
        %get3A_330 = tpu.vector_load %arg6[%get3A_328, %get3A_329] {strides = array<i32>} : memref<200x32xf32, #tpu.memory_space<vmem>>, vector<16xf32>,
        %add3A_331 = arith.addf %add3A_301, %get3A_330 : vector<16xf32>
        scf.yield %add3A_309, %add3A_315, %add3A_323, %add3A_331 : vector<16xf32>, vector<16xf32>, vector<16xf32>, vector<16xf32>
      }
      %scan3A_69 = arith.constant 100 : i32
      %add3A_70 = arith.addf %scan3A_68#0, %scan3A_68#2 : vector<16xf32>
      %mul3A_71 = arith.constant 5.000000e-03 : f32
      %mul3A_72 = vector.broadcast %mul3A_71 : f32 to vector<16xf32>
      %mul3A_73 = arith.mulf %add3A_70, %mul3A_72 : vector<16xf32>
      %add3A_74 = arith.addf %scan3A_68#1, %scan3A_68#3 : vector<16xf32>
      %mul3A_75 = arith.constant 5.000000e-03 : f32
      %mul3A_76 = vector.broadcast %mul3A_75 : f32 to vector<16xf32>
      %mul3A_77 = arith.mulf %add3A_74, %mul3A_76 : vector<16xf32>
      %mul3A_78 = arith.mulf %mul3A_73, %mul3A_73 : vector<16xf32>
      %mul3A_79 = arith.mulf %mul3A_77, %mul3A_77 : vector<16xf32>
      %add3A_80 = arith.addf %mul3A_78, %mul3A_79 : vector<16xf32>
      %broadcast_in_dim3A_81 = arith.constant true
      %broadcast_in_dim3A_82 = vector.broadcast %broadcast_in_dim3A_81 : i1 to vector<16xi1>
      %masked_cumsum3A = tpu.scan <sum>, %add3A_80 masked %broadcast_in_dim3A_82 : vector<16xf32>, vector<16xi1> -> vector<16xf32>
      %slice3A = vector.extract_strided_slice %masked_cumsum3A {offsets = [15], sizes = [1], strides = [1]} : vector<16xf32> to vector<1xf32>
      %squeeze3A = vector.extract %slice3A[0] : f32 from vector<1xf32>
      %bitcast_convert_type3A = arith.bitcast %squeeze3A : f32 to i32
      %shift_right_logical3A = arith.constant 1 : i32
      %shift_right_logical3A_83 = arith.shrui %bitcast_convert_type3A, %shift_right_logical3A : i32
      %sub3A = arith.constant 1597463007 : i32
      %sub3A_84 = arith.subi %sub3A, %shift_right_logical3A_83 : i32
      %bitcast_convert_type3A_85 = arith.bitcast %sub3A_84 : i32 to f32
      %mul3A_86 = arith.constant 5.000000e-01 : f32
      %mul3A_87 = arith.mulf %mul3A_86, %squeeze3A : f32
      %mul3A_88 = arith.mulf %mul3A_87, %bitcast_convert_type3A_85 : f32
      %mul3A_89 = arith.mulf %mul3A_88, %bitcast_convert_type3A_85 : f32
      %sub3A_90 = arith.constant 1.500000e+00 : f32
      %sub3A_91 = arith.subf %sub3A_90, %mul3A_89 : f32
      %mul3A_92 = arith.mulf %bitcast_convert_type3A_85, %sub3A_91 : f32
      %mul3A_93 = arith.constant 5.000000e-01 : f32
      %mul3A_94 = arith.mulf %mul3A_93, %squeeze3A : f32
      %mul3A_95 = arith.mulf %mul3A_94, %mul3A_92 : f32
      %mul3A_96 = arith.mulf %mul3A_95, %mul3A_92 : f32
      %sub3A_97 = arith.constant 1.500000e+00 : f32
      %sub3A_98 = arith.subf %sub3A_97, %mul3A_96 : f32
      %mul3A_99 = arith.mulf %mul3A_92, %sub3A_98 : f32
      %mul3A_100 = arith.constant 5.000000e-01 : f32
      %mul3A_101 = arith.mulf %mul3A_100, %squeeze3A : f32
      %mul3A_102 = arith.mulf %mul3A_101, %mul3A_99 : f32
      %mul3A_103 = arith.mulf %mul3A_102, %mul3A_99 : f32
      %sub3A_104 = arith.constant 1.500000e+00 : f32
      %sub3A_105 = arith.subf %sub3A_104, %mul3A_103 : f32
      %mul3A_106 = arith.mulf %mul3A_99, %sub3A_105 : f32
      %mul3A_107 = arith.mulf %squeeze3A, %mul3A_106 : f32
      %max3A = arith.constant 9.99999996E-13 : f32
      %max3A_108 = arith.maximumf %mul3A_107, %max3A : f32
      %div3A = vector.broadcast %max3A_108 : f32 to vector<16xf32>
      %div3A_109 = arith.divf %mul3A_73, %div3A : vector<16xf32>
      %swap3A = arith.index_cast %mul3A_43 : i32 to index
      %swap3A_110 = arith.constant 0 : index
      %swap3A_111 = tpu.vector_load %arg8[%swap3A, %swap3A_110] {strides = array<i32>} : memref<128x32xf32, #tpu.memory_space<vmem>>, vector<16xf32>,
      tpu.vector_store %arg8[%swap3A, %swap3A_110], %div3A_109 {strides = array<i32>} : memref<128x32xf32, #tpu.memory_space<vmem>>, vector<16xf32>,
      %div3A_112 = vector.broadcast %max3A_108 : f32 to vector<16xf32>
      %div3A_113 = arith.divf %mul3A_77, %div3A_112 : vector<16xf32>
      %swap3A_114 = arith.index_cast %mul3A_43 : i32 to index
      %swap3A_115 = arith.constant 16 : index
      %swap3A_116 = tpu.vector_load %arg8[%swap3A_114, %swap3A_115] {strides = array<i32>} : memref<128x32xf32, #tpu.memory_space<vmem>>, vector<16xf32>,
      tpu.vector_store %arg8[%swap3A_114, %swap3A_115], %div3A_113 {strides = array<i32>} : memref<128x32xf32, #tpu.memory_space<vmem>>, vector<16xf32>,
      %add3A_117 = arith.constant 2 : i32
      %add3A_118 = arith.addi %mul3A_43, %add3A_117 : i32
      %lt3A = arith.constant 128 : i32
      %lt3A_119 = arith.cmpi slt, %add3A_118, %lt3A : i32
      %convert_element_type3A = arith.extui %lt3A_119 : i1 to i32
      %cond3A = arith.constant 0 : i32
      %cond3A_120 = arith.cmpi ne, %convert_element_type3A, %cond3A : i32
      scf.if %cond3A_120 {
        %add3A_210 = arith.constant 2 : i32
        %add3A_211 = arith.addi %mul3A_43, %add3A_210 : i32
        %mul3A_212 = arith.constant 200 : i32
        %mul3A_213 = arith.muli %add3A_211, %mul3A_212 : i32
        %add3A_214 = arith.constant 96 : i32
        %add3A_215 = arith.addi %mul3A_213, %add3A_214 : i32
        %dma_start3A_216 = arith.constant 0 : i32
        %dma_start3A_217 = arith.constant 0 : i32
        %dma_start3A_218 = tpu.memref_slice %arg6[%dma_start3A_216, %dma_start3A_217] : memref<200x32xf32, #tpu.memory_space<vmem>> -> memref<96x32xf32, #tpu.memory_space<vmem>>
        %dma_start3A_219 = tpu.memref_slice %arg5[%mul3A_213] : memref<25600xi32, #tpu.memory_space<vmem>> -> memref<96xi32, #tpu.memory_space<vmem>>
        %dma_start3A_220 = arith.constant 0 : i32
        %dma_start3A_221 = arith.constant 0 : i32
        %dma_start3A_222 = tpu.memref_slice %arg3[%dma_start3A_220, %dma_start3A_221] : memref<1011712x32xf32, #tpu.memory_space<hbm>> -> memref<1011712x32xf32, #tpu.memory_space<hbm>>
        tpu.enqueue_indirect_dma source(%dma_start3A_222 : memref<1011712x32xf32, #tpu.memory_space<hbm>>) target(%dma_start3A_218 : memref<96x32xf32, #tpu.memory_space<vmem>>) offsets(%dma_start3A_219 : memref<96xi32, #tpu.memory_space<vmem>>) semaphore(%arg9 : memref<!tpu.dma_semaphore, #tpu.memory_space<semaphore_mem>>)
        %dma_start3A_223 = arith.constant 96 : i32
        %dma_start3A_224 = arith.constant 0 : i32
        %dma_start3A_225 = tpu.memref_slice %arg6[%dma_start3A_223, %dma_start3A_224] : memref<200x32xf32, #tpu.memory_space<vmem>> -> memref<104x32xf32, #tpu.memory_space<vmem>>
        %dma_start3A_226 = tpu.memref_slice %arg5[%add3A_215] : memref<25600xi32, #tpu.memory_space<vmem>> -> memref<104xi32, #tpu.memory_space<vmem>>
        %dma_start3A_227 = arith.constant 0 : i32
        %dma_start3A_228 = arith.constant 0 : i32
        %dma_start3A_229 = tpu.memref_slice %arg3[%dma_start3A_227, %dma_start3A_228] : memref<1011712x32xf32, #tpu.memory_space<hbm>> -> memref<1011712x32xf32, #tpu.memory_space<hbm>>
        tpu.enqueue_indirect_dma source(%dma_start3A_229 : memref<1011712x32xf32, #tpu.memory_space<hbm>>) target(%dma_start3A_225 : memref<104x32xf32, #tpu.memory_space<vmem>>) offsets(%dma_start3A_226 : memref<104xi32, #tpu.memory_space<vmem>>) semaphore(%arg9 : memref<!tpu.dma_semaphore, #tpu.memory_space<semaphore_mem>>)
      } else {
      }
      %mul3A_121 = arith.constant 200 : i32
      %mul3A_122 = arith.muli %add3A_45, %mul3A_121 : i32
      %add3A_123 = arith.constant 96 : i32
      %add3A_124 = arith.addi %mul3A_122, %add3A_123 : i32
      %dma_wait3A_125 = arith.constant 0 : i32
      %dma_wait3A_126 = arith.constant 0 : i32
      %dma_wait3A_127 = tpu.memref_slice %arg7[%dma_wait3A_125, %dma_wait3A_126] : memref<200x32xf32, #tpu.memory_space<vmem>> -> memref<96x32xf32, #tpu.memory_space<vmem>>
      %dma_wait3A_128 = tpu.memref_slice %arg5[%mul3A_122] : memref<25600xi32, #tpu.memory_space<vmem>> -> memref<96xi32, #tpu.memory_space<vmem>>
      %dma_wait3A_129 = arith.constant 0 : i32
      %dma_wait3A_130 = arith.constant 0 : i32
      %dma_wait3A_131 = tpu.memref_slice %arg3[%dma_wait3A_129, %dma_wait3A_130] : memref<1011712x32xf32, #tpu.memory_space<hbm>> -> memref<1011712x32xf32, #tpu.memory_space<hbm>>
      tpu.wait_indirect_dma semaphore(%arg10 : memref<!tpu.dma_semaphore, #tpu.memory_space<semaphore_mem>>) src(%dma_wait3A_131 : memref<1011712x32xf32, #tpu.memory_space<hbm>>) dst(%dma_wait3A_127 : memref<96x32xf32, #tpu.memory_space<vmem>>)
      %dma_wait3A_132 = arith.constant 96 : i32
      %dma_wait3A_133 = arith.constant 0 : i32
      %dma_wait3A_134 = tpu.memref_slice %arg7[%dma_wait3A_132, %dma_wait3A_133] : memref<200x32xf32, #tpu.memory_space<vmem>> -> memref<104x32xf32, #tpu.memory_space<vmem>>
      %dma_wait3A_135 = tpu.memref_slice %arg5[%add3A_124] : memref<25600xi32, #tpu.memory_space<vmem>> -> memref<104xi32, #tpu.memory_space<vmem>>
      %dma_wait3A_136 = arith.constant 0 : i32
      %dma_wait3A_137 = arith.constant 0 : i32
      %dma_wait3A_138 = tpu.memref_slice %arg3[%dma_wait3A_136, %dma_wait3A_137] : memref<1011712x32xf32, #tpu.memory_space<hbm>> -> memref<1011712x32xf32, #tpu.memory_space<hbm>>
      tpu.wait_indirect_dma semaphore(%arg10 : memref<!tpu.dma_semaphore, #tpu.memory_space<semaphore_mem>>) src(%dma_wait3A_138 : memref<1011712x32xf32, #tpu.memory_space<hbm>>) dst(%dma_wait3A_134 : memref<104x32xf32, #tpu.memory_space<vmem>>)
      %broadcast_in_dim3A_139 = arith.constant 0.000000e+00 : f32
      %broadcast_in_dim3A_140 = vector.broadcast %broadcast_in_dim3A_139 : f32 to vector<16xf32>
      %scan3A_141 = arith.constant 0 : i32
      %scan3A_142 = arith.constant 100 : i32
      %scan3A_143 = arith.addi %scan3A_141, %scan3A_142 : i32
      %scan3A_144 = arith.constant 4 : i32
      %scan3A_145:4 = scf.for %scan3A_210 = %scan3A_141 to %scan3A_143 step %scan3A_144 iter_args(%scan3A_211 = %broadcast_in_dim3A_140, %scan3A_212 = %broadcast_in_dim3A_140, %scan3A_213 = %broadcast_in_dim3A_140, %scan3A_214 = %broadcast_in_dim3A_140) -> (vector<16xf32>, vector<16xf32>, vector<16xf32>, vector<16xf32>)  : i32 {
        %mul3A_215 = arith.constant 2 : i32
        %mul3A_216 = arith.muli %mul3A_215, %scan3A_210 : i32
        %get3A = arith.index_cast %mul3A_216 : i32 to index
        %get3A_217 = arith.constant 0 : index
        %get3A_218 = tpu.vector_load %arg7[%get3A, %get3A_217] {strides = array<i32>} : memref<200x32xf32, #tpu.memory_space<vmem>>, vector<16xf32>,
        %add3A_219 = arith.addf %scan3A_211, %get3A_218 : vector<16xf32>
        %mul3A_220 = arith.constant 2 : i32
        %mul3A_221 = arith.muli %mul3A_220, %scan3A_210 : i32
        %get3A_222 = arith.index_cast %mul3A_221 : i32 to index
        %get3A_223 = arith.constant 16 : index
        %get3A_224 = tpu.vector_load %arg7[%get3A_222, %get3A_223] {strides = array<i32>} : memref<200x32xf32, #tpu.memory_space<vmem>>, vector<16xf32>,
        %add3A_225 = arith.addf %scan3A_212, %get3A_224 : vector<16xf32>
        %mul3A_226 = arith.constant 2 : i32
        %mul3A_227 = arith.muli %mul3A_226, %scan3A_210 : i32
        %add3A_228 = arith.constant 1 : i32
        %add3A_229 = arith.addi %mul3A_227, %add3A_228 : i32
        %get3A_230 = arith.index_cast %add3A_229 : i32 to index
        %get3A_231 = arith.constant 0 : index
        %get3A_232 = tpu.vector_load %arg7[%get3A_230, %get3A_231] {strides = array<i32>} : memref<200x32xf32, #tpu.memory_space<vmem>>, vector<16xf32>,
        %add3A_233 = arith.addf %scan3A_213, %get3A_232 : vector<16xf32>
        %mul3A_234 = arith.constant 2 : i32
        %mul3A_235 = arith.muli %mul3A_234, %scan3A_210 : i32
        %add3A_236 = arith.constant 1 : i32
        %add3A_237 = arith.addi %mul3A_235, %add3A_236 : i32
        %get3A_238 = arith.index_cast %add3A_237 : i32 to index
        %get3A_239 = arith.constant 16 : index
        %get3A_240 = tpu.vector_load %arg7[%get3A_238, %get3A_239] {strides = array<i32>} : memref<200x32xf32, #tpu.memory_space<vmem>>, vector<16xf32>,
        %add3A_241 = arith.addf %scan3A_214, %get3A_240 : vector<16xf32>
        %scan3A_242 = arith.constant 1 : i32
        %scan3A_243 = arith.addi %scan3A_210, %scan3A_242 : i32
        %mul3A_244 = arith.constant 2 : i32
        %mul3A_245 = arith.muli %mul3A_244, %scan3A_243 : i32
        %get3A_246 = arith.index_cast %mul3A_245 : i32 to index
        %get3A_247 = arith.constant 0 : index
        %get3A_248 = tpu.vector_load %arg7[%get3A_246, %get3A_247] {strides = array<i32>} : memref<200x32xf32, #tpu.memory_space<vmem>>, vector<16xf32>,
        %add3A_249 = arith.addf %add3A_219, %get3A_248 : vector<16xf32>
        %mul3A_250 = arith.constant 2 : i32
        %mul3A_251 = arith.muli %mul3A_250, %scan3A_243 : i32
        %get3A_252 = arith.index_cast %mul3A_251 : i32 to index
        %get3A_253 = arith.constant 16 : index
        %get3A_254 = tpu.vector_load %arg7[%get3A_252, %get3A_253] {strides = array<i32>} : memref<200x32xf32, #tpu.memory_space<vmem>>, vector<16xf32>,
        %add3A_255 = arith.addf %add3A_225, %get3A_254 : vector<16xf32>
        %mul3A_256 = arith.constant 2 : i32
        %mul3A_257 = arith.muli %mul3A_256, %scan3A_243 : i32
        %add3A_258 = arith.constant 1 : i32
        %add3A_259 = arith.addi %mul3A_257, %add3A_258 : i32
        %get3A_260 = arith.index_cast %add3A_259 : i32 to index
        %get3A_261 = arith.constant 0 : index
        %get3A_262 = tpu.vector_load %arg7[%get3A_260, %get3A_261] {strides = array<i32>} : memref<200x32xf32, #tpu.memory_space<vmem>>, vector<16xf32>,
        %add3A_263 = arith.addf %add3A_233, %get3A_262 : vector<16xf32>
        %mul3A_264 = arith.constant 2 : i32
        %mul3A_265 = arith.muli %mul3A_264, %scan3A_243 : i32
        %add3A_266 = arith.constant 1 : i32
        %add3A_267 = arith.addi %mul3A_265, %add3A_266 : i32
        %get3A_268 = arith.index_cast %add3A_267 : i32 to index
        %get3A_269 = arith.constant 16 : index
        %get3A_270 = tpu.vector_load %arg7[%get3A_268, %get3A_269] {strides = array<i32>} : memref<200x32xf32, #tpu.memory_space<vmem>>, vector<16xf32>,
        %add3A_271 = arith.addf %add3A_241, %get3A_270 : vector<16xf32>
        %scan3A_272 = arith.constant 2 : i32
        %scan3A_273 = arith.addi %scan3A_210, %scan3A_272 : i32
        %mul3A_274 = arith.constant 2 : i32
        %mul3A_275 = arith.muli %mul3A_274, %scan3A_273 : i32
        %get3A_276 = arith.index_cast %mul3A_275 : i32 to index
        %get3A_277 = arith.constant 0 : index
        %get3A_278 = tpu.vector_load %arg7[%get3A_276, %get3A_277] {strides = array<i32>} : memref<200x32xf32, #tpu.memory_space<vmem>>, vector<16xf32>,
        %add3A_279 = arith.addf %add3A_249, %get3A_278 : vector<16xf32>
        %mul3A_280 = arith.constant 2 : i32
        %mul3A_281 = arith.muli %mul3A_280, %scan3A_273 : i32
        %get3A_282 = arith.index_cast %mul3A_281 : i32 to index
        %get3A_283 = arith.constant 16 : index
        %get3A_284 = tpu.vector_load %arg7[%get3A_282, %get3A_283] {strides = array<i32>} : memref<200x32xf32, #tpu.memory_space<vmem>>, vector<16xf32>,
        %add3A_285 = arith.addf %add3A_255, %get3A_284 : vector<16xf32>
        %mul3A_286 = arith.constant 2 : i32
        %mul3A_287 = arith.muli %mul3A_286, %scan3A_273 : i32
        %add3A_288 = arith.constant 1 : i32
        %add3A_289 = arith.addi %mul3A_287, %add3A_288 : i32
        %get3A_290 = arith.index_cast %add3A_289 : i32 to index
        %get3A_291 = arith.constant 0 : index
        %get3A_292 = tpu.vector_load %arg7[%get3A_290, %get3A_291] {strides = array<i32>} : memref<200x32xf32, #tpu.memory_space<vmem>>, vector<16xf32>,
        %add3A_293 = arith.addf %add3A_263, %get3A_292 : vector<16xf32>
        %mul3A_294 = arith.constant 2 : i32
        %mul3A_295 = arith.muli %mul3A_294, %scan3A_273 : i32
        %add3A_296 = arith.constant 1 : i32
        %add3A_297 = arith.addi %mul3A_295, %add3A_296 : i32
        %get3A_298 = arith.index_cast %add3A_297 : i32 to index
        %get3A_299 = arith.constant 16 : index
        %get3A_300 = tpu.vector_load %arg7[%get3A_298, %get3A_299] {strides = array<i32>} : memref<200x32xf32, #tpu.memory_space<vmem>>, vector<16xf32>,
        %add3A_301 = arith.addf %add3A_271, %get3A_300 : vector<16xf32>
        %scan3A_302 = arith.constant 3 : i32
        %scan3A_303 = arith.addi %scan3A_210, %scan3A_302 : i32
        %mul3A_304 = arith.constant 2 : i32
        %mul3A_305 = arith.muli %mul3A_304, %scan3A_303 : i32
        %get3A_306 = arith.index_cast %mul3A_305 : i32 to index
        %get3A_307 = arith.constant 0 : index
        %get3A_308 = tpu.vector_load %arg7[%get3A_306, %get3A_307] {strides = array<i32>} : memref<200x32xf32, #tpu.memory_space<vmem>>, vector<16xf32>,
        %add3A_309 = arith.addf %add3A_279, %get3A_308 : vector<16xf32>
        %mul3A_310 = arith.constant 2 : i32
        %mul3A_311 = arith.muli %mul3A_310, %scan3A_303 : i32
        %get3A_312 = arith.index_cast %mul3A_311 : i32 to index
        %get3A_313 = arith.constant 16 : index
        %get3A_314 = tpu.vector_load %arg7[%get3A_312, %get3A_313] {strides = array<i32>} : memref<200x32xf32, #tpu.memory_space<vmem>>, vector<16xf32>,
        %add3A_315 = arith.addf %add3A_285, %get3A_314 : vector<16xf32>
        %mul3A_316 = arith.constant 2 : i32
        %mul3A_317 = arith.muli %mul3A_316, %scan3A_303 : i32
        %add3A_318 = arith.constant 1 : i32
        %add3A_319 = arith.addi %mul3A_317, %add3A_318 : i32
        %get3A_320 = arith.index_cast %add3A_319 : i32 to index
        %get3A_321 = arith.constant 0 : index
        %get3A_322 = tpu.vector_load %arg7[%get3A_320, %get3A_321] {strides = array<i32>} : memref<200x32xf32, #tpu.memory_space<vmem>>, vector<16xf32>,
        %add3A_323 = arith.addf %add3A_293, %get3A_322 : vector<16xf32>
        %mul3A_324 = arith.constant 2 : i32
        %mul3A_325 = arith.muli %mul3A_324, %scan3A_303 : i32
        %add3A_326 = arith.constant 1 : i32
        %add3A_327 = arith.addi %mul3A_325, %add3A_326 : i32
        %get3A_328 = arith.index_cast %add3A_327 : i32 to index
        %get3A_329 = arith.constant 16 : index
        %get3A_330 = tpu.vector_load %arg7[%get3A_328, %get3A_329] {strides = array<i32>} : memref<200x32xf32, #tpu.memory_space<vmem>>, vector<16xf32>,
        %add3A_331 = arith.addf %add3A_301, %get3A_330 : vector<16xf32>
        scf.yield %add3A_309, %add3A_315, %add3A_323, %add3A_331 : vector<16xf32>, vector<16xf32>, vector<16xf32>, vector<16xf32>
      }
      %scan3A_146 = arith.constant 100 : i32
      %add3A_147 = arith.addf %scan3A_145#0, %scan3A_145#2 : vector<16xf32>
      %mul3A_148 = arith.constant 5.000000e-03 : f32
      %mul3A_149 = vector.broadcast %mul3A_148 : f32 to vector<16xf32>
      %mul3A_150 = arith.mulf %add3A_147, %mul3A_149 : vector<16xf32>
      %add3A_151 = arith.addf %scan3A_145#1, %scan3A_145#3 : vector<16xf32>
      %mul3A_152 = arith.constant 5.000000e-03 : f32
      %mul3A_153 = vector.broadcast %mul3A_152 : f32 to vector<16xf32>
      %mul3A_154 = arith.mulf %add3A_151, %mul3A_153 : vector<16xf32>
      %mul3A_155 = arith.mulf %mul3A_150, %mul3A_150 : vector<16xf32>
      %mul3A_156 = arith.mulf %mul3A_154, %mul3A_154 : vector<16xf32>
      %add3A_157 = arith.addf %mul3A_155, %mul3A_156 : vector<16xf32>
      %broadcast_in_dim3A_158 = arith.constant true
      %broadcast_in_dim3A_159 = vector.broadcast %broadcast_in_dim3A_158 : i1 to vector<16xi1>
      %masked_cumsum3A_160 = tpu.scan <sum>, %add3A_157 masked %broadcast_in_dim3A_159 : vector<16xf32>, vector<16xi1> -> vector<16xf32>
      %slice3A_161 = vector.extract_strided_slice %masked_cumsum3A_160 {offsets = [15], sizes = [1], strides = [1]} : vector<16xf32> to vector<1xf32>
      %squeeze3A_162 = vector.extract %slice3A_161[0] : f32 from vector<1xf32>
      %bitcast_convert_type3A_163 = arith.bitcast %squeeze3A_162 : f32 to i32
      %shift_right_logical3A_164 = arith.constant 1 : i32
      %shift_right_logical3A_165 = arith.shrui %bitcast_convert_type3A_163, %shift_right_logical3A_164 : i32
      %sub3A_166 = arith.constant 1597463007 : i32
      %sub3A_167 = arith.subi %sub3A_166, %shift_right_logical3A_165 : i32
      %bitcast_convert_type3A_168 = arith.bitcast %sub3A_167 : i32 to f32
      %mul3A_169 = arith.constant 5.000000e-01 : f32
      %mul3A_170 = arith.mulf %mul3A_169, %squeeze3A_162 : f32
      %mul3A_171 = arith.mulf %mul3A_170, %bitcast_convert_type3A_168 : f32
      %mul3A_172 = arith.mulf %mul3A_171, %bitcast_convert_type3A_168 : f32
      %sub3A_173 = arith.constant 1.500000e+00 : f32
      %sub3A_174 = arith.subf %sub3A_173, %mul3A_172 : f32
      %mul3A_175 = arith.mulf %bitcast_convert_type3A_168, %sub3A_174 : f32
      %mul3A_176 = arith.constant 5.000000e-01 : f32
      %mul3A_177 = arith.mulf %mul3A_176, %squeeze3A_162 : f32
      %mul3A_178 = arith.mulf %mul3A_177, %mul3A_175 : f32
      %mul3A_179 = arith.mulf %mul3A_178, %mul3A_175 : f32
      %sub3A_180 = arith.constant 1.500000e+00 : f32
      %sub3A_181 = arith.subf %sub3A_180, %mul3A_179 : f32
      %mul3A_182 = arith.mulf %mul3A_175, %sub3A_181 : f32
      %mul3A_183 = arith.constant 5.000000e-01 : f32
      %mul3A_184 = arith.mulf %mul3A_183, %squeeze3A_162 : f32
      %mul3A_185 = arith.mulf %mul3A_184, %mul3A_182 : f32
      %mul3A_186 = arith.mulf %mul3A_185, %mul3A_182 : f32
      %sub3A_187 = arith.constant 1.500000e+00 : f32
      %sub3A_188 = arith.subf %sub3A_187, %mul3A_186 : f32
      %mul3A_189 = arith.mulf %mul3A_182, %sub3A_188 : f32
      %mul3A_190 = arith.mulf %squeeze3A_162, %mul3A_189 : f32
      %max3A_191 = arith.constant 9.99999996E-13 : f32
      %max3A_192 = arith.maximumf %mul3A_190, %max3A_191 : f32
      %div3A_193 = vector.broadcast %max3A_192 : f32 to vector<16xf32>
      %div3A_194 = arith.divf %mul3A_150, %div3A_193 : vector<16xf32>
      %swap3A_195 = arith.index_cast %add3A_45 : i32 to index
      %swap3A_196 = arith.constant 0 : index
      %swap3A_197 = tpu.vector_load %arg8[%swap3A_195, %swap3A_196] {strides = array<i32>} : memref<128x32xf32, #tpu.memory_space<vmem>>, vector<16xf32>,
      tpu.vector_store %arg8[%swap3A_195, %swap3A_196], %div3A_194 {strides = array<i32>} : memref<128x32xf32, #tpu.memory_space<vmem>>, vector<16xf32>,
      %div3A_198 = vector.broadcast %max3A_192 : f32 to vector<16xf32>
      %div3A_199 = arith.divf %mul3A_154, %div3A_198 : vector<16xf32>
      %swap3A_200 = arith.index_cast %add3A_45 : i32 to index
      %swap3A_201 = arith.constant 16 : index
      %swap3A_202 = tpu.vector_load %arg8[%swap3A_200, %swap3A_201] {strides = array<i32>} : memref<128x32xf32, #tpu.memory_space<vmem>>, vector<16xf32>,
      tpu.vector_store %arg8[%swap3A_200, %swap3A_201], %div3A_199 {strides = array<i32>} : memref<128x32xf32, #tpu.memory_space<vmem>>, vector<16xf32>,
      %add3A_203 = arith.constant 2 : i32
      %add3A_204 = arith.addi %add3A_45, %add3A_203 : i32
      %lt3A_205 = arith.constant 128 : i32
      %lt3A_206 = arith.cmpi slt, %add3A_204, %lt3A_205 : i32
      %convert_element_type3A_207 = arith.extui %lt3A_206 : i1 to i32
      %cond3A_208 = arith.constant 0 : i32
      %cond3A_209 = arith.cmpi ne, %convert_element_type3A_207, %cond3A_208 : i32
      scf.if %cond3A_209 {
        %add3A_210 = arith.constant 2 : i32
        %add3A_211 = arith.addi %add3A_45, %add3A_210 : i32
        %mul3A_212 = arith.constant 200 : i32
        %mul3A_213 = arith.muli %add3A_211, %mul3A_212 : i32
        %add3A_214 = arith.constant 96 : i32
        %add3A_215 = arith.addi %mul3A_213, %add3A_214 : i32
        %dma_start3A_216 = arith.constant 0 : i32
        %dma_start3A_217 = arith.constant 0 : i32
        %dma_start3A_218 = tpu.memref_slice %arg7[%dma_start3A_216, %dma_start3A_217] : memref<200x32xf32, #tpu.memory_space<vmem>> -> memref<96x32xf32, #tpu.memory_space<vmem>>
        %dma_start3A_219 = tpu.memref_slice %arg5[%mul3A_213] : memref<25600xi32, #tpu.memory_space<vmem>> -> memref<96xi32, #tpu.memory_space<vmem>>
        %dma_start3A_220 = arith.constant 0 : i32
        %dma_start3A_221 = arith.constant 0 : i32
        %dma_start3A_222 = tpu.memref_slice %arg3[%dma_start3A_220, %dma_start3A_221] : memref<1011712x32xf32, #tpu.memory_space<hbm>> -> memref<1011712x32xf32, #tpu.memory_space<hbm>>
        tpu.enqueue_indirect_dma source(%dma_start3A_222 : memref<1011712x32xf32, #tpu.memory_space<hbm>>) target(%dma_start3A_218 : memref<96x32xf32, #tpu.memory_space<vmem>>) offsets(%dma_start3A_219 : memref<96xi32, #tpu.memory_space<vmem>>) semaphore(%arg10 : memref<!tpu.dma_semaphore, #tpu.memory_space<semaphore_mem>>)
        %dma_start3A_223 = arith.constant 96 : i32
        %dma_start3A_224 = arith.constant 0 : i32
        %dma_start3A_225 = tpu.memref_slice %arg7[%dma_start3A_223, %dma_start3A_224] : memref<200x32xf32, #tpu.memory_space<vmem>> -> memref<104x32xf32, #tpu.memory_space<vmem>>
        %dma_start3A_226 = tpu.memref_slice %arg5[%add3A_215] : memref<25600xi32, #tpu.memory_space<vmem>> -> memref<104xi32, #tpu.memory_space<vmem>>
        %dma_start3A_227 = arith.constant 0 : i32
        %dma_start3A_228 = arith.constant 0 : i32
        %dma_start3A_229 = tpu.memref_slice %arg3[%dma_start3A_227, %dma_start3A_228] : memref<1011712x32xf32, #tpu.memory_space<hbm>> -> memref<1011712x32xf32, #tpu.memory_space<hbm>>
        tpu.enqueue_indirect_dma source(%dma_start3A_229 : memref<1011712x32xf32, #tpu.memory_space<hbm>>) target(%dma_start3A_225 : memref<104x32xf32, #tpu.memory_space<vmem>>) offsets(%dma_start3A_226 : memref<104xi32, #tpu.memory_space<vmem>>) semaphore(%arg10 : memref<!tpu.dma_semaphore, #tpu.memory_space<semaphore_mem>>)
      } else {
      }
    }
    %scan3A_38 = arith.constant 64 : i32
    %mul3A_39 = arith.constant 128 : i32
    %mul3A_40 = arith.muli %add3A, %mul3A_39 : i32
    "tpu.region"() ({
      %run_scoped3A = tpu.sem_alloc : memref<!tpu.dma_semaphore, #tpu.memory_space<semaphore_mem>>
      %dma_start3A_41 = arith.constant 0 : i32
      %dma_start3A_42 = tpu.memref_slice %arg4[%mul3A_40, %dma_start3A_41] : memref<4096x32xf32, #tpu.memory_space<hbm>> -> memref<128x32xf32, #tpu.memory_space<hbm>>
      %dma_start3A_43 = arith.constant 0 : i32
      %dma_start3A_44 = tpu.memref_slice %arg4[%mul3A_40, %dma_start3A_43] : memref<4096x32xf32, #tpu.memory_space<hbm>> -> memref<128x32xf32, #tpu.memory_space<hbm>>
      tpu.enqueue_dma source(%arg8 : memref<128x32xf32, #tpu.memory_space<vmem>>) target(%dma_start3A_44 : memref<128x32xf32, #tpu.memory_space<hbm>>) target_semaphore(%run_scoped3A : memref<!tpu.dma_semaphore, #tpu.memory_space<semaphore_mem>>)
      %dma_wait3A = arith.constant 0 : i32
      %dma_wait3A_45 = tpu.memref_slice %arg4[%mul3A_40, %dma_wait3A] : memref<4096x32xf32, #tpu.memory_space<hbm>> -> memref<128x32xf32, #tpu.memory_space<hbm>>
      %dma_wait3A_46 = arith.constant 0 : i32
      %dma_wait3A_47 = tpu.memref_slice %arg4[%mul3A_40, %dma_wait3A_46] : memref<4096x32xf32, #tpu.memory_space<hbm>> -> memref<128x32xf32, #tpu.memory_space<hbm>>
      tpu.wait_dma2 semaphore(%run_scoped3A : memref<!tpu.dma_semaphore, #tpu.memory_space<semaphore_mem>>) src(%arg8 : memref<128x32xf32, #tpu.memory_space<vmem>>) dst(%dma_wait3A_47 : memref<128x32xf32, #tpu.memory_space<hbm>>)
      tpu.yield
    }) : () -> ()
    return
  }
}

module attributes {stable_mosaic.version = 14 : i64} {
  func.func @_transpose_body(%arg0: i32, %arg1: memref<32x26624xf32, #tpu.memory_space<vmem>>, %arg2: memref<851968xf32, #tpu.memory_space<vmem>>) attributes {dimension_semantics = [#tpu.dimension_semantics<arbitrary>], iteration_bounds = array<i64: 38>, scalar_prefetch = 0 : i64, scratch_operands = 0 : i64, tpu.core_type = #tpu.core_type<tc>, window_params = [{transform_indices = @transform_0, window_bounds = array<i64: 32, 26624>}, {transform_indices = @transform_1, window_bounds = array<i64: 851968>}]} {
    %get3A = arith.constant 0 : index
    %get3A_0 = arith.constant 0 : index
    %get3A_1 = vector.load %arg1[%get3A, %get3A_0] : memref<32x26624xf32, #tpu.memory_space<vmem>>, vector<32x26624xf32>
    %transpose3A = tpu.transpose %get3A_1, [1, 0] : vector<32x26624xf32> -> vector<26624x32xf32>
    %slice3A = vector.extract_strided_slice %transpose3A {offsets = [0, 0], sizes = [6656, 32], strides = [1, 1]} : vector<26624x32xf32> to vector<6656x32xf32>
    %slice3A_2 = vector.extract_strided_slice %transpose3A {offsets = [6656, 0], sizes = [6656, 32], strides = [1, 1]} : vector<26624x32xf32> to vector<6656x32xf32>
    %slice3A_3 = vector.extract_strided_slice %transpose3A {offsets = [13312, 0], sizes = [6656, 32], strides = [1, 1]} : vector<26624x32xf32> to vector<6656x32xf32>
    %slice3A_4 = vector.extract_strided_slice %transpose3A {offsets = [19968, 0], sizes = [6656, 32], strides = [1, 1]} : vector<26624x32xf32> to vector<6656x32xf32>
    %concatenate3A = tpu.concatenate %slice3A, %slice3A_2, %slice3A_3, %slice3A_4 in 1 : vector<6656x32xf32>, vector<6656x32xf32>, vector<6656x32xf32>, vector<6656x32xf32> -> vector<6656x128xf32>
    %reshape3A = vector.shape_cast %concatenate3A : vector<6656x128xf32> to vector<851968xf32>
    %swap3A = arith.constant 0 : index
    %swap3A_5 = vector.load %arg2[%swap3A] : memref<851968xf32, #tpu.memory_space<vmem>>, vector<851968xf32>
    tpu.vector_store %arg2[%swap3A], %reshape3A {strides = array<i32>} : memref<851968xf32, #tpu.memory_space<vmem>>, vector<851968xf32>,
    return
  }
  func.func @transform_0(%arg0: i32) -> (i32, i32) {
    %c0_i32 = arith.constant 0 : i32
    %c0_i32_0 = arith.constant 0 : i32
    return %c0_i32, %arg0 : i32, i32
  }
  func.func @transform_1(%arg0: i32) -> i32 {
    %c0_i32 = arith.constant 0 : i32
    return %arg0 : i32
  }
}

</mosaic_0001>

<sc_bundles>
// kernel: kernel.4.cloned.1.call-start
scs
__scs_entry_jumppad:
0x0: {  	(pc) =	sbr.rel $0x88, $3  }
0x1: {  	(tag) =	ssettag $0x0;
	lr =	simm.s32 $0x1  }
0x2: {  	[smem:$0x3F9F] =	sst lr;
	_ =	strace $0xD0000000  }
0x3: {  	_ = 	snop  }
0x4: {  	_ = 	snop  }
0x5: {  	_ = 	snop  }
0x6: {  	_ = 	snop  }
0x7: {  	_ = 	snop  }
__scs_overlays_trampoline_lowered:
0x8: {  	[smem:$0x3FAE] =	sst s0  }
0x9: {  	[smem:$0x3FAF] =	sst s1  }
0xa: {  	[smem:$0x3FB0] =	sst s2  }
0xb: {  	[smem:$0x3FB1] =	sst s3  }
0xc: {  	[smem:$0x3FB2] =	sst s4  }
0xd: {  	[smem:$0x3FB3] =	sst s5  }
0xe: {  	[smem:$0x3FB4] =	sst s6  }
0xf: {  	[smem:$0x3FB5] =	sst s7  }
0x10: {  	[smem:$0x3FB6] =	sst s8  }
0x11: {  	[smem:$0x3FB7] =	sst s9;
	s0 =	simm.s32 @!p0 $0x0  }
0x12: {  	s1 =	sld [smem:$0x3F9D];
	s0 =	simm.s32 @p0 $0x1  }
0x13: {  	[smem:$0x3FB8] =	sst s0;
	s0 =	simm.s32 @!p1 $0x0  }
0x14: {  	s2 =	sld [smem:$0x3F9C];
	s0 =	simm.s32 @p1 $0x1  }
0x15: {  	[smem:$0x3FB9] =	sst s0;
	s0 =	simm.s32 @!p2 $0x0  }
0x16: {  	s3 =	sld [smem:$0x3FDB];
	s0 =	simm.s32 @p2 $0x1  }
0x17: {  	s4 =	simm.s32 $0x1BF5;
	[smem:$0x3FBB] =	sst s0  }
0x18: {  	s0 =	sld [smem:$0x3F9E];
	_ =	swait.ge [sflag:s4], $0x0  }
0x19: {  	s7 =	sld [smem:$0x3F9F]  }
0x1a: {  	s8 =	sadd.s32 $0xFFFFE003, lr  }
0x1b: {  	s9 =	sadd.s32 $0xFFFFFEF7, lr;
	s5 =	simm.s32 $0xFFFFFFFF;
	p2 =	slt.u32 s8, $0xFFFFF086  }
0x1c: {  	p1 =	slt.u32 s9, $0xF7A;
	s5 =	simm.s32 @!p2 $0x0  }
0x1d: {  	s5 =	simm.s32 @p1 $0x1;
	p0 =	seq.s32 s7, s2  }
0x1e: {  	s7 =	smul.u32 @!p0 $0xF7A, s2;
	p2 =	seq.s32 @!p0 s5, $0x0  }
0x1f: {  	s9 =	smul.u32 $0xF7A, s1;
	s8 =	simm.s32 @!p0 $0x1BF5;
	p2 =	por !p2, p0  }
0x20: {  	[sflag:s8] =	ssyncset.s32 @!p0 $0xFFFFF086;
	s6 =	sadd.s32 @!p0 s3, s7;
	s7 =	simm.s32 @!p0 $0x108  }
0x21: {  	s3 =	sadd.s32 s3, s9;
	s6 =	sadd.s32 @!p0 $0x88, s6;
	s7 =	simm.s32 @p2 $0x1082  }
0x22: {  	[simem:s7], [sflag:s8] =	dma.local @!p0 [hbm:s6], $0xF7A  }
0x23: {  	s9 =	sor.u32 $0xD0000000, s2;
	s6 =	simm.s32 $0x108;
	_ =	swait.ge @!p0 [sflag:s8], $0x0  }
0x24: {  	s3 =	sadd.s32 $0x88, s3;
	s6 =	simm.s32 @!p1 $0x1082;
	[sflag:s4] =	ssyncset.s32 $0xFFFFF086  }
0x25: {  	[simem:s6], [sflag:s4] =	dma.local [hbm:s3], $0xF7A  }
0x26: {  	[smem:$0x3F9F] =	sst s1;
	(tag) =	ssettag s2;
	_ =	strace s9  }
0x27: {  	s1 =	sld [smem:$0x3FAF]  }
0x28: {  	s2 =	sld [smem:$0x3FB0]  }
0x29: {  	s4 =	sld [smem:$0x3FB2]  }
0x2a: {  	p0 =	seq.s32 s5, $0x0;
	s5 =	sld [smem:$0x3FB3]  }
0x2b: {  	s6 =	sld [smem:$0x3FB4]  }
0x2c: {  	s7 =	sld [smem:$0x3FB5]  }
0x2d: {  	s3 =	simm.s32 $0x108;
	s8 =	sld [smem:$0x3FB6]  }
0x2e: {  	s3 =	simm.s32 @!p0 $0x1082;
	s9 =	sld [smem:$0x3FB7]  }
0x2f: {  	lr =	sadd.s32 s0, s3;
	s0 =	sld [smem:$0x3FAE]  }
0x30: {  	s3 =	sld [smem:$0x3FB1]  }
0x31: {  	[smem:$0x3FBA] =	sst s10  }
0x32: {  	s10 =	sld [smem:$0x3FB8];
	_ =	sdelay $0x3  }
0x33: {  	p0 =	seq.s32 s10, $0x1;
	s10 =	sld [smem:$0x3FBA];
	_ =	sdelay $0x3  }
0x34: {  	[smem:$0x3FBA] =	sst s10  }
0x35: {  	s10 =	sld [smem:$0x3FB9];
	_ =	sdelay $0x3  }
0x36: {  	p1 =	seq.s32 s10, $0x1;
	s10 =	sld [smem:$0x3FBA];
	_ =	sdelay $0x3  }
0x37: {  	[smem:$0x3FBA] =	sst s10  }
0x38: {  	s10 =	sld [smem:$0x3FBB]  }
0x39: {  	_ = 	snop;
	(pc) =	sbr.ind lr, $3  }
0x3a: {  	_ = 	snop  }
0x3b: {  	_ = 	snop  }
0x3c: {  	p2 =	seq.s32 s10, $0x1;
	s10 =	sld [smem:$0x3FBA]  }
0x3d: {  	_ =	shalt  }
0x3e: {  	_ =	shalt  }
0x3f: {  	_ =	shalt  }
0x40: {  	_ =	shalt  }
0x41: {  	_ =	shalt  }
0x42: {  	_ =	shalt  }
0x43: {  	_ =	shalt  }
0x44: {  	_ =	shalt  }
0x45: {  	_ =	shalt  }
0x46: {  	_ =	shalt  }
0x47: {  	_ =	shalt  }
0x48: {  	_ =	shalt  }
0x49: {  	_ =	shalt  }
0x4a: {  	_ =	shalt  }
0x4b: {  	_ =	shalt  }
0x4c: {  	_ =	shalt  }
0x4d: {  	_ =	shalt  }
0x4e: {  	_ =	shalt  }
0x4f: {  	_ =	shalt  }
0x50: {  	_ =	shalt  }
0x51: {  	_ =	shalt  }
0x52: {  	_ =	shalt  }
0x53: {  	_ =	shalt  }
0x54: {  	_ =	shalt  }
0x55: {  	_ =	shalt  }
0x56: {  	_ =	shalt  }
0x57: {  	_ =	shalt  }
0x58: {  	_ =	shalt  }
0x59: {  	_ =	shalt  }
0x5a: {  	_ =	shalt  }
0x5b: {  	_ =	shalt  }
0x5c: {  	_ =	shalt  }
0x5d: {  	_ =	shalt  }
0x5e: {  	_ =	shalt  }
0x5f: {  	_ =	shalt  }
0x60: {  	_ =	shalt  }
0x61: {  	_ =	shalt  }
0x62: {  	_ =	shalt  }
0x63: {  	_ =	shalt  }
0x64: {  	_ =	shalt  }
0x65: {  	_ =	shalt  }
0x66: {  	_ =	shalt  }
0x67: {  	_ =	shalt  }
0x68: {  	_ =	shalt  }
0x69: {  	_ =	shalt  }
0x6a: {  	_ =	shalt  }
0x6b: {  	_ =	shalt  }
0x6c: {  	_ =	shalt  }
0x6d: {  	_ =	shalt  }
0x6e: {  	_ =	shalt  }
0x6f: {  	_ =	shalt  }
0x70: {  	_ =	shalt  }
0x71: {  	_ =	shalt  }
0x72: {  	_ =	shalt  }
0x73: {  	_ =	shalt  }
0x74: {  	_ =	shalt  }
0x75: {  	_ =	shalt  }
0x76: {  	_ =	shalt  }
0x77: {  	_ =	shalt  }
0x78: {  	_ =	shalt  }
0x79: {  	_ =	shalt  }
0x7a: {  	_ =	shalt  }
0x7b: {  	_ =	shalt  }
0x7c: {  	_ =	shalt  }
0x7d: {  	_ =	shalt  }
0x7e: {  	_ =	shalt  }
0x7f: {  	_ =	shalt  }
0x80: {  	_ =	shalt  }
0x81: {  	_ =	shalt  }
0x82: {  	_ =	shalt  }
0x83: {  	_ =	shalt  }
0x84: {  	_ =	shalt  }
0x85: {  	_ =	shalt  }
0x86: {  	_ =	shalt  }
0x87: {  	_ =	shalt  }
.Lfunc_end0:
.L_simem_size_0:
called_computation_lowered:
.L_overlay_start_0:
0x88: {  	s2 =	sld [smem:$0x3FD9]  }
0x89: {  	s3 =	sld [smem:$0x3FFE];
	_ =	sdelay $0x1  }
0x8a: {  	s1 =	srdreg.scid  }
0x8b: {  	s0 =	sand.u32 $0x1, s1  }
0x8c: {  	s17 =	sshll.u32 s0, $0xA;
	s2 =	sadd.s32 s3, s2  }
0x8d: {  	s2 =	sadd.s32 s2, s17  }
0x8e: {  	[smem:$0x3FC6] =	sst s2  }
0x8f: {  	_ = 	snop  }
0x90: {  	s2 =	sld [smem:$0x3FD0];
	(tm) =	ssettm $0x1  }
0x91: {  	s18 =	sld [smem:$0x3FFB];
	_ =	sdelay $0x3  }
0x92: {  	_ =	strace s18  }
0x93: {  	s3 =	sld [smem:$0x3FFC];
	_ =	sdelay $0x3  }
0x94: {  	_ =	strace s3  }
0x95: {  	s3 =	sld [smem:$0x3FFD];
	_ =	sdelay $0x3  }
0x96: {  	_ =	strace s3  }
0x97: {  	_ =	strace $0x8FFFFFFF  }
0x98: {  	s19 =	sld [smem:$0x3FDB];
	_ =	sdelay $0x1  }
0x99: {  	s4 =	simm.s32 $_scs_section_size  }
0x9a: {  	s5 =	simm.s32 $_size__tile_overlayer_lowered;
	s6 =	simm.s32 $_tile_overlayer_lowered  }
0x9b: {  	s22 =	simm.s32 $0x1BFF;
	s21 =	sshll.u32 s6, $0x1;
	s3 =	sadd.s32 s4, s19  }
0x9c: {  	s7 =	simm.s32 $0x0;
	s20 =	sshll.u32 s5, $0x1;
	s5 =	sadd.s32 s21, s3  }
0x9d: {  	[timem:s7], [sflag:s22] =	dma.local [hbm:s5], s20  }
0x9e: {  	_ =	swait.ge [sflag:s22], s20  }
0x9f: {  	s4 =	ssub.s32 $0x0, s20;
	[sflag:s22] =	ssyncset.done $0x0  }
0xa0: {  	[sflag:s22] =	ssyncadd.s32 s4;
	_ =	sdelay $0x1  }
0xa1: {  	s23 =	simm.s32 $0x1B8B  }
0xa2: {  	_ =	swait.ge [sflag:s23], $0x1  }
0xa3: {  	[sflag:s23] =	ssyncset.done $0x0  }
0xa4: {  	s25 =	simm.s32 $0x1B8E;
	s24 =	sld [smem:$0x3FFE];
	[sflag:s23] =	ssyncadd.s32 $0xFFFFFFFF  }
0xa5: {  	s26 =	simm.s32 $execute0_lowered;
	[smem:$0x3FD2] =	sst s25  }
0xa6: {  	s5 =	sshll.u32 s26, $0x1;
	_ =	strace $0x80000046;
	[dreg:$0x1] =	wrdreg $0xFFFFFFFF  }
0xa7: {  	s28 =	simm.s32 $_size_execute0_lowered;
	s3 =	sadd.s32 s3, s5;
	[dreg:$0x0] =	wrdreg $0x0  }
0xa8: {  	s5 =	sshll.u32 s28, $0x1;
	[dreg:$0x2] =	wrdreg s3  }
0xa9: {  	[dreg:$0x3] =	wrdreg s5  }
0xaa: {  	[dreg:$0x4] =	wrdreg $0xC0  }
0xab: {  	_ =	task [dreg:s7], $0x5FFFF  }
0xac: {  	[dreg:$0x1] =	wrdreg $0xFFFFFFFF  }
0xad: {  	[dreg:$0x0] =	wrdreg $0x60  }
0xae: {  	[dreg:$0x2] =	wrdreg s24  }
0xaf: {  	[dreg:$0x3] =	wrdreg s2  }
0xb0: {  	[dreg:$0x4] =	wrdreg $0x9  }
0xb1: {  	_ =	task.clear_ibuf [dreg:s7], $0x5FFFF;
	_ =	strace $0x90000046  }
0xb2: {  	s29 =	simm.s32 $0x9;
	_ =	strace $0x80000048  }
0xb3: {  	_ =	swait.ge [sflag:s29], $0x1  }
0xb4: {  	[sflag:s29] =	ssyncadd.s32 $0xFFFFFFFF  }
0xb5: {  	_ =	strace $0x90000048  }
0xb6: {  	_ =	sfence  }
0xb7: {  	s30 =	sld [smem:$0x0];
	_ =	sdelay $0x2  }
0xb8: {  	s31 =	sshll.u32 s1, $0xD;
	s1 =	sshrl.u32 s1, $0x2  }
0xb9: {  	s3 =	sand.u32 $0x4000, s31;
	s1 =	sadd.s32 s1, s30  }
0xba: {  	s0 =	sor.u32 s3, s0;
	s1 =	sshll.u32 s1, $0x11  }
0xbb: {  	s0 =	sor.u32 s1, s0  }
0xbc: {  	s0 =	sadd.s32 $0x8F2B, s0  }
0xbd: {  	[sflag:s0] =	ssyncadd.remote.s32 $0x1  }
0xbe: {  	_ =	sfence.sel $0xFFFF  }
0xbf: {  	[dreg:$0x0] =	wrdreg $0xFFFFFFFF;
	(pc) =	sbr.abs _section_cstart, $3  }
0xc0: {  	[dreg:$0x1] =	wrdreg $0xFFFFFFFF  }
0xc1: {  	_ =	task.clear_ibuf [dreg:s7], $0x2FFFF;
	_ =	strace $0x9FFFFFFF  }
0xc2: {  	(tm) =	ssettm $0x7FFFFFFF  }
0xc3: {  	_ =	shalt  }
tec
execute0_lowered:
.L_overlay_start_1:
0x0: {  	(tag) =	ssettag $0x1  }
0x1: {  	s3 =	rddreg [dreg:$0x0];
	s1 =	srdreg.scid  }
0x2: {  	s0 =	stileid.u32;
	s5 =	rddreg [dreg:$0x1];
	s2 =	simm.s32 $0x0  }
0x3: {  	s9 =	simm.s32 $0x6400;
	s10 =	simm.s32 $0x68;
	s11 =	simm.s32 $0x7000  }
0x4: {  	s12 =	simm.s32 $0xC8;
	s13 =	simm.s32 $0x7D00;
	s14 =	simm.s32 $0x128  }
0x5: {  	s15 =	simm.s32 $0x8900;
	s16 =	simm.s32 $0x1;
	s17 =	simm.s32 $0x2  }
0x6: {  	s18 =	simm.s32 $0x9600;
	s4 =	sand.u32 $0x1, s1;
	s1 =	rddreg [dreg:$0x2]  }
0x7: {  	s19 =	simm.s32 $0x0;
	s6 =	sshll.u32 s0, $0x1;
	[smem:$0x7FF] =	sst s2  }
.Ltmp0:
0x8: {  	s6 =	sor.u32 s4, s6;
	s4 =	ssub.s32 $0x2, s4;
	(pc) =	sbr.rel .LBB2_1-.Ltmp0, $4  }
0x9: {  	s7 =	smul.u32 $0xC80, s6;
	s8 =	sshrl.u32 s4, $0x1;
	s6 =	sshll.u32 s6, $0x9  }
0xa: {  	_ =	strace $0x80000047;
	s8 =	ssub.s32 s4, s8;
	s5 =	sadd.s32 s5, s6  }
0xb: {  	s7 =	sadd.s32 s7, s3;
	s3 =	sadd.s32 $0x19400, s3;
	s6 =	smax.u32 s8, $0x1  }
0xc: {  	s8 =	simm.s32 $0x60;
	s4 =	sadd.s32 $0x400, s7;
	s7 =	simm.s32 $0x3  }
.LBB2_8:
0xd: {  	s19 =	sadd.s32 $0x1, s19  }
0xe: {  	p0 =	sne.s32 s19, s6  }
.Ltmp1:
0xf: {  	_ = 	snop;
	(pc) =	sbr.rel @!p0 .LBB2_9-.Ltmp1, $4  }
0x10: {  	[hbm4b:s5+s2] =	stream.linear.scatter [tilespmem:s18], [sflag:$0x3], $0x1000, $0x38;
	[tilespmem:$0xA600] =	vst v63  }
0x11: {  	_ =	swait.ge [sflag:s7], $0x1000  }
0x12: {  	[sflag:s7] =	ssyncset.done $0x0  }
0x13: {  	[sflag:s7] =	ssyncadd.s32 $0xFFFFF000  }
.LBB2_1:
0x14: {  	[tilespmem:s2], [sflag:$0x3] =	stream.linear.gather [hbm4b:s4+s2], $0x6400, $0x38;
	[tilespmem:$0xA600] =	vst v63  }
0x15: {  	_ =	swait.ge [sflag:s7], $0x6400  }
0x16: {  	[sflag:s7] =	ssyncset.done $0x0  }
0x17: {  	[sflag:s7] =	ssyncadd.s32 $0xFFFF9C00  }
0x18: {  	[tilespmem:s9], [sflag:$0x1] =	stream.indirect.gather [hbm4b:s3+s8], $0x20, s2, s8, $0xb8;
	[tilespmem:$0xA600] =	vst v63  }
0x19: {  	_ = 	snop  }
0x1a: {  	[tilespmem:s11], [sflag:$0x1] =	stream.indirect.gather [hbm4b:s3+s10], $0x20, s8, s10, $0xb8;
	[tilespmem:$0xA600] =	vst v63  }
0x1b: {  	_ = 	snop  }
0x1c: {  	[tilespmem:s13], [sflag:$0x2] =	stream.indirect.gather [hbm4b:s3+s8], $0x20, s12, s8, $0xb8;
	[tilespmem:$0xA600] =	vst v63  }
0x1d: {  	s20 =	simm.s32 $0x0  }
0x1e: {  	[tilespmem:s15], [sflag:$0x2] =	stream.indirect.gather [hbm4b:s3+s10], $0x20, s14, s10, $0xb8;
	[tilespmem:$0xA600] =	vst v63  }
.LBB2_2:
0x1f: {  	_ =	swait.ge [sflag:s16], $0xC00  }
0x20: {  	[sflag:s16] =	ssyncset.done $0x0  }
0x21: {  	[sflag:s16] =	ssyncadd.s32 $0xFFFFF400  }
0x22: {  	_ =	swait.ge [sflag:s16], $0xD00  }
0x23: {  	[sflag:s16] =	ssyncset.done $0x0  }
0x24: {  	s22 =	simm.s32 $0x6480;
	[sflag:s16] =	ssyncadd.s32 $0xFFFFF300  }
0x25: {  	v0 =	vld [tilespmem:s22+$0x40]  }
0x26: {  	v2 =	vld [tilespmem:s22+$0x50]  }
0x27: {  	v1 =	vld [tilespmem:s22+$0x0]  }
0x28: {  	v3 =	vld [tilespmem:s22+$0x10]  }
0x29: {  	v9 =	vld [tilespmem:s22+$0xFFFFFFC0]  }
0x2a: {  	v13 =	vld [tilespmem:s22+$0xFFFFFFD0]  }
0x2b: {  	v5 =	vld [tilespmem:s22+$0xFFFFFF80]  }
0x2c: {  	v7 =	vld [tilespmem:s22+$0xFFFFFF90]  }
0x2d: {  	v10 =	vld [tilespmem:s22+$0xFFFFFFA0]  }
0x2e: {  	v11 =	vld [tilespmem:s22+$0xFFFFFFB0]  }
0x2f: {  	v6 =	vld [tilespmem:s22+$0xFFFFFFE0]  }
0x30: {  	v8 =	vld [tilespmem:s22+$0xFFFFFFF0]  }
0x31: {  	v12 =	vimm.f32 $0.0e+00;
	v4 =	vld [tilespmem:s22+$0x20]  }
0x32: {  	v14 =	vadd.f32 v5, v12;
	v15 =	vadd.f32 v7, v12;
	v7 =	vld [tilespmem:s22+$0x30]  }
0x33: {  	v10 =	vadd.f32 v10, v12;
	v11 =	vadd.f32 v11, v12;
	v5 =	vld [tilespmem:s22+$0x60]  }
0x34: {  	s21 =	simm.s32 $0x0;
	v12 =	vadd.f32 v9, v14;
	v13 =	vadd.f32 v13, v15;
	v9 =	vld [tilespmem:s22+$0x70];
	s22 =	simm.s32 $0x6580  }
.LBB2_3:
0x35: {  	v14 =	vld [tilespmem:s22+$0x40];
	v6 =	vadd.f32 v6, v10;
	v8 =	vadd.f32 v8, v11  }
0x36: {  	v10 =	vld [tilespmem:s22+$0x50];
	v11 =	vadd.f32 v1, v12;
	v12 =	vadd.f32 v3, v13  }
0x37: {  	v1 =	vld [tilespmem:s22+$0x0];
	v4 =	vadd.f32 v4, v6;
	v6 =	vadd.f32 v7, v8  }
0x38: {  	v3 =	vld [tilespmem:s22+$0x10];
	v7 =	vadd.f32 v0, v11;
	v11 =	vadd.f32 v2, v12  }
0x39: {  	v12 =	vld [tilespmem:s22+$0xFFFFFFC0];
	v5 =	vadd.f32 v5, v4;
	v9 =	vadd.f32 v9, v6  }
0x3a: {  	v13 =	vld [tilespmem:s22+$0xFFFFFFD0];
	v0 =	vmov v14  }
0x3b: {  	v14 =	vld [tilespmem:s22+$0xFFFFFF80];
	v2 =	vmov v10  }
0x3c: {  	v10 =	vld [tilespmem:s22+$0xFFFFFF90]  }
0x3d: {  	v15 =	vld [tilespmem:s22+$0xFFFFFFA0]  }
0x3e: {  	s21 =	sadd.s32 $0x4, s21;
	v16 =	vld [tilespmem:s22+$0xFFFFFFB0]  }
0x3f: {  	p0 =	slt.u32 s21, $0x60;
	v6 =	vld [tilespmem:s22+$0xFFFFFFE0]  }
.Ltmp2:
0x40: {  	v8 =	vld [tilespmem:s22+$0xFFFFFFF0];
	(pc) =	sbr.rel @p0 .LBB2_3-.Ltmp2, $4  }
0x41: {  	v4 =	vld [tilespmem:s22+$0x20]  }
0x42: {  	v14 =	vadd.f32 v14, v7;
	v17 =	vadd.f32 v10, v11;
	v7 =	vld [tilespmem:s22+$0x30]  }
0x43: {  	v10 =	vadd.f32 v15, v5;
	v11 =	vadd.f32 v16, v9;
	v5 =	vld [tilespmem:s22+$0x60]  }
0x44: {  	v12 =	vadd.f32 v12, v14;
	v13 =	vadd.f32 v13, v17;
	v9 =	vld [tilespmem:s22+$0x70];
	s22 =	sadd.s32 $0x100, s22  }
0x45: {  	v6 =	vadd.f32 v6, v10;
	v8 =	vadd.f32 v8, v11  }
0x46: {  	v1 =	vadd.f32 v1, v12;
	v3 =	vadd.f32 v3, v13  }
0x47: {  	v4 =	vadd.f32 v4, v6;
	v6 =	vadd.f32 v7, v8  }
0x48: {  	v0 =	vadd.f32 v0, v1;
	v1 =	vadd.f32 v2, v3  }
0x49: {  	v2 =	vadd.f32 v5, v4;
	v3 =	vadd.f32 v9, v6;
	_ =	sdelay $0x1  }
0x4a: {  	v0 =	vadd.f32 v2, v0;
	v1 =	vadd.f32 v3, v1;
	_ =	sdelay $0x1  }
0x4b: {  	v0 =	vmul.f32 $4.999999890e-03, v0;
	v1 =	vmul.f32 $4.999999890e-03, v1;
	_ =	sdelay $0x1  }
0x4c: {  	v2 =	vmul.f32 v0, v0;
	v3 =	vmul.f32 v1, v1;
	_ =	sdelay $0x1  }
0x4d: {  	v2 =	vadd.f32 v3, v2;
	_ =	sdelay $0x1  }
0x4e: {  	(xrf2) =	vadd.scan.msk.f32 $0xffff, v2;
	_ =	sdelay $0x9  }
0x4f: {  	v2, _, _ =	vpop (xrf2)  }
0x50: {  	(v2sf) =	vpush v2, $0xF;
	_ =	sdelay $0xe  }
0x51: {  	s21 =	spop (v2sf)  }
0x52: {  	s22 =	sshrl.u32 s21, $0x1;
	s23 =	smul.f32 $5.000000000e-01, s21  }
0x53: {  	s22 =	ssub.s32 $0x5F3759DF, s22  }
0x54: {  	s24 =	smul.f32 s22, s23;
	_ =	sdelay $0x1  }
0x55: {  	s24 =	smul.f32 s22, s24;
	_ =	sdelay $0x1  }
0x56: {  	s24 =	ssub.f32 $1.500000000e+00, s24;
	_ =	sdelay $0x1  }
0x57: {  	s22 =	smul.f32 s22, s24;
	_ =	sdelay $0x1  }
0x58: {  	s24 =	smul.f32 s22, s23;
	_ =	sdelay $0x1  }
0x59: {  	s24 =	smul.f32 s24, s22;
	_ =	sdelay $0x1  }
0x5a: {  	s24 =	ssub.f32 $1.500000000e+00, s24;
	_ =	sdelay $0x1  }
0x5b: {  	s22 =	smul.f32 s24, s22;
	_ =	sdelay $0x1  }
0x5c: {  	s23 =	smul.f32 s22, s23;
	_ =	sdelay $0x1  }
0x5d: {  	s23 =	smul.f32 s23, s22;
	_ =	sdelay $0x1  }
0x5e: {  	s23 =	ssub.f32 $1.500000000e+00, s23;
	_ =	sdelay $0x1  }
0x5f: {  	s22 =	smul.f32 s23, s22;
	_ =	sdelay $0x1  }
0x60: {  	s21 =	smul.f32 s22, s21;
	_ =	sdelay $0x1  }
0x61: {  	s21 =	smax.f32 s21, $9.999999960e-13  }
0x62: {  	v2 =	vmov s21  }
0x63: {  	(erf) = vrcp.f32 v2;
	_ =	sdelay $0x8  }
0x64: {  	p0 =	seq.s32 s20, $0x3F;
	v2 =	vpop (erf)  }
0x65: {  	s30 =	sshll.u32 s20, $0x6;
	s22 =	smul.u32 @!p0 $0x640, s20;
	v0 =	vmul.f32 v2, v0  }
0x66: {  	s21 =	sand.u32 $0x3FFFFFC0, s30;
	v1 =	vmul.f32 v2, v1  }
0x67: {  	s22 =	sshra.s32 @!p0 s22, $0x2;
	[tilespmem:s21+$0x9600] =	vst v0  }
0x68: {  	s25 =	simm.s32 @!p0 $0x6400;
	s24 =	simm.s32 @!p0 $0x60;
	s23 =	sadd.s32 @!p0 $0x190, s22;
	[tilespmem:s21+$0x9610] =	vst v1  }
0x69: {  	[tilespmem:s25], [sflag:$0x1] =	stream.indirect.gather @!p0 [hbm4b:s3+s24], $0x20, s23, s24, $0xb8;
	[tilespmem:$0xA600] =	vst v63  }
0x6a: {  	s22 =	sadd.s32 @!p0 $0x1F0, s22;
	s23 =	simm.s32 @!p0 $0x68;
	s24 =	simm.s32 @!p0 $0x7000  }
0x6b: {  	[tilespmem:s24], [sflag:$0x1] =	stream.indirect.gather @!p0 [hbm4b:s3+s23], $0x20, s22, s23, $0xb8;
	[tilespmem:$0xA600] =	vst v63  }
0x6c: {  	_ =	swait.ge [sflag:s17], $0xC00  }
0x6d: {  	[sflag:s17] =	ssyncset.done $0x0  }
0x6e: {  	[sflag:s17] =	ssyncadd.s32 $0xFFFFF400  }
0x6f: {  	_ =	swait.ge [sflag:s17], $0xD00  }
0x70: {  	[sflag:s17] =	ssyncset.done $0x0  }
0x71: {  	s31 =	simm.s32 $0x7D80;
	[sflag:s17] =	ssyncadd.s32 $0xFFFFF300  }
0x72: {  	v0 =	vld [tilespmem:s31+$0x40]  }
0x73: {  	v2 =	vld [tilespmem:s31+$0x50]  }
0x74: {  	v1 =	vld [tilespmem:s31+$0x0]  }
0x75: {  	v3 =	vld [tilespmem:s31+$0x10]  }
0x76: {  	v9 =	vld [tilespmem:s31+$0xFFFFFFC0]  }
0x77: {  	v13 =	vld [tilespmem:s31+$0xFFFFFFD0]  }
0x78: {  	v5 =	vld [tilespmem:s31+$0xFFFFFF80]  }
0x79: {  	v7 =	vld [tilespmem:s31+$0xFFFFFF90]  }
0x7a: {  	v10 =	vld [tilespmem:s31+$0xFFFFFFA0]  }
0x7b: {  	v11 =	vld [tilespmem:s31+$0xFFFFFFB0]  }
0x7c: {  	v6 =	vld [tilespmem:s31+$0xFFFFFFE0]  }
0x7d: {  	v8 =	vld [tilespmem:s31+$0xFFFFFFF0]  }
0x7e: {  	v12 =	vimm.f32 $0.0e+00;
	v4 =	vld [tilespmem:s31+$0x20]  }
0x7f: {  	v14 =	vadd.f32 v5, v12;
	v15 =	vadd.f32 v7, v12;
	v7 =	vld [tilespmem:s31+$0x30]  }
0x80: {  	v10 =	vadd.f32 v10, v12;
	v11 =	vadd.f32 v11, v12;
	v5 =	vld [tilespmem:s31+$0x60]  }
0x81: {  	s22 =	simm.s32 $0x0;
	s23 =	simm.s32 $0x7E80;
	v12 =	vadd.f32 v9, v14;
	v13 =	vadd.f32 v13, v15;
	v9 =	vld [tilespmem:s31+$0x70]  }
.LBB2_5:
0x82: {  	v14 =	vld [tilespmem:s23+$0x40];
	v6 =	vadd.f32 v6, v10;
	v8 =	vadd.f32 v8, v11  }
0x83: {  	v10 =	vld [tilespmem:s23+$0x50];
	v11 =	vadd.f32 v1, v12;
	v12 =	vadd.f32 v3, v13  }
0x84: {  	v1 =	vld [tilespmem:s23+$0x0];
	v4 =	vadd.f32 v4, v6;
	v6 =	vadd.f32 v7, v8  }
0x85: {  	v3 =	vld [tilespmem:s23+$0x10];
	v7 =	vadd.f32 v0, v11;
	v11 =	vadd.f32 v2, v12  }
0x86: {  	v12 =	vld [tilespmem:s23+$0xFFFFFFC0];
	v5 =	vadd.f32 v5, v4;
	v9 =	vadd.f32 v9, v6  }
0x87: {  	v13 =	vld [tilespmem:s23+$0xFFFFFFD0];
	v0 =	vmov v14  }
0x88: {  	v14 =	vld [tilespmem:s23+$0xFFFFFF80];
	v2 =	vmov v10  }
0x89: {  	v10 =	vld [tilespmem:s23+$0xFFFFFF90]  }
0x8a: {  	v15 =	vld [tilespmem:s23+$0xFFFFFFA0]  }
0x8b: {  	s22 =	sadd.s32 $0x4, s22;
	v16 =	vld [tilespmem:s23+$0xFFFFFFB0]  }
0x8c: {  	p1 =	slt.u32 s22, $0x60;
	v6 =	vld [tilespmem:s23+$0xFFFFFFE0]  }
.Ltmp3:
0x8d: {  	v8 =	vld [tilespmem:s23+$0xFFFFFFF0];
	(pc) =	sbr.rel @p1 .LBB2_5-.Ltmp3, $4  }
0x8e: {  	v4 =	vld [tilespmem:s23+$0x20]  }
0x8f: {  	v14 =	vadd.f32 v14, v7;
	v17 =	vadd.f32 v10, v11;
	v7 =	vld [tilespmem:s23+$0x30]  }
0x90: {  	v10 =	vadd.f32 v15, v5;
	v11 =	vadd.f32 v16, v9;
	v5 =	vld [tilespmem:s23+$0x60]  }
0x91: {  	v12 =	vadd.f32 v12, v14;
	v13 =	vadd.f32 v13, v17;
	v9 =	vld [tilespmem:s23+$0x70];
	s23 =	sadd.s32 $0x100, s23  }
0x92: {  	v6 =	vadd.f32 v6, v10;
	v8 =	vadd.f32 v8, v11  }
0x93: {  	v1 =	vadd.f32 v1, v12;
	v3 =	vadd.f32 v3, v13  }
0x94: {  	v4 =	vadd.f32 v4, v6;
	v57 =	vadd.f32 v7, v8  }
0x95: {  	v0 =	vadd.f32 v0, v1;
	v58 =	vadd.f32 v2, v3  }
0x96: {  	v59 =	vadd.f32 v5, v4;
	v60 =	vadd.f32 v9, v57;
	_ =	sdelay $0x1  }
0x97: {  	v0 =	vadd.f32 v59, v0;
	v1 =	vadd.f32 v60, v58;
	_ =	sdelay $0x1  }
0x98: {  	v0 =	vmul.f32 $4.999999890e-03, v0;
	v1 =	vmul.f32 $4.999999890e-03, v1;
	_ =	sdelay $0x1  }
0x99: {  	v61 =	vmul.f32 v0, v0;
	v62 =	vmul.f32 v1, v1;
	_ =	sdelay $0x1  }
0x9a: {  	v2 =	vadd.f32 v62, v61;
	_ =	sdelay $0x1  }
0x9b: {  	(xrf2) =	vadd.scan.msk.f32 $0xffff, v2;
	_ =	sdelay $0x9  }
0x9c: {  	v2, _, _ =	vpop (xrf2)  }
0x9d: {  	(v2sf) =	vpush v2, $0xF;
	_ =	sdelay $0xe  }
0x9e: {  	s22 =	spop (v2sf)  }
0x9f: {  	s23 =	sshrl.u32 s22, $0x1;
	s24 =	smul.f32 $5.000000000e-01, s22  }
0xa0: {  	s23 =	ssub.s32 $0x5F3759DF, s23  }
0xa1: {  	s25 =	smul.f32 s23, s24;
	_ =	sdelay $0x1  }
0xa2: {  	s25 =	smul.f32 s23, s25;
	_ =	sdelay $0x1  }
0xa3: {  	s25 =	ssub.f32 $1.500000000e+00, s25;
	_ =	sdelay $0x1  }
0xa4: {  	s23 =	smul.f32 s23, s25;
	_ =	sdelay $0x1  }
0xa5: {  	s25 =	smul.f32 s23, s24;
	_ =	sdelay $0x1  }
0xa6: {  	s25 =	smul.f32 s25, s23;
	_ =	sdelay $0x1  }
0xa7: {  	s25 =	ssub.f32 $1.500000000e+00, s25;
	_ =	sdelay $0x1  }
0xa8: {  	s23 =	smul.f32 s25, s23;
	_ =	sdelay $0x1  }
0xa9: {  	s24 =	smul.f32 s23, s24;
	_ =	sdelay $0x1  }
0xaa: {  	s24 =	smul.f32 s24, s23;
	_ =	sdelay $0x1  }
0xab: {  	s24 =	ssub.f32 $1.500000000e+00, s24;
	_ =	sdelay $0x1  }
0xac: {  	s23 =	smul.f32 s24, s23;
	_ =	sdelay $0x1  }
0xad: {  	s22 =	smul.f32 s23, s22;
	_ =	sdelay $0x1  }
0xae: {  	s22 =	smax.f32 s22, $9.999999960e-13  }
0xaf: {  	v63 =	vmov s22  }
0xb0: {  	(erf) = vrcp.f32 v63;
	_ =	sdelay $0x8  }
.Ltmp4:
0xb1: {  	v2 =	vpop (erf);
	(pc) =	sbr.rel @p0 .LBB2_8-.Ltmp4, $4  }
0xb2: {  	v0 =	vmul.f32 v2, v0  }
0xb3: {  	v1 =	vmul.f32 v2, v1  }
0xb4: {  	[tilespmem:s21+$0x9620] =	vst v0  }
0xb5: {  	[tilespmem:s21+$0x9630] =	vst v1  }
0xb6: {  	s21 =	smul.u32 $0x640, s20;
	_ =	sdelay $0x1  }
.Ltmp5:
0xb7: {  	s21 =	sshra.s32 s21, $0x2;
	(pc) =	sbr.rel .LBB2_2-.Ltmp5, $4  }
0xb8: {  	s22 =	sadd.s32 $0x258, s21  }
0xb9: {  	[tilespmem:s13], [sflag:$0x2] =	stream.indirect.gather [hbm4b:s3+s8], $0x20, s22, s8, $0xb8;
	[tilespmem:$0xA600] =	vst v63  }
0xba: {  	s20 =	sadd.s32 $0x1, s20;
	s21 =	sadd.s32 $0x2B8, s21  }
0xbb: {  	[tilespmem:s15], [sflag:$0x2] =	stream.indirect.gather [hbm4b:s3+s10], $0x20, s21, s10, $0xb8;
	[tilespmem:$0xA600] =	vst v63  }
.LBB2_9:
0xbc: {  	_ =	sfence.sel $0x180000  }
0xbd: {  	[bflag:$0x0] =	sbarrier.arrive $0xFFFF  }
0xbe: {  	p0 =	sne.s32 s0, $0x0;
	_ =	strace $0x90000047  }
0xbf: {  	s0 =	sadd.s32 @!p0 $0x100000, s1;
	[bflag:$0x2] =	sbarrier.arrive $0xFFFF  }
0xc0: {  	[sflag:s0] =	ssyncadd.tile.s32 @!p0 $0x1;
	_ =	shalt  }
.Lfunc_end2:
_tile_overlayer_lowered:
.L_overlay_start_2:
0xc1: {  	(tag) =	ssettag $0x2  }
0xc2: {  	s0 =	rddreg [dreg:$0x0];
	s2 =	stileid.u32  }
0xc3: {  	s1 =	rddreg [dreg:$0x1];
	p0 =	sne.s32 s2, $0x0  }
0xc4: {  	s3 =	rddreg [dreg:$0x2];
	[bflag:$0x3] =	sbarrier.arrive $0xFFFF;
	s2 =	simm.s32 @!p0 $0x1C03  }
0xc5: {  	[timem:s3], [sflag:s2] =	dma.local @!p0 [hbm:s0], s1  }
0xc6: {  	s0 =	simm.s32 @!p0 $0x3  }
0xc7: {  	_ =	swait.ge @!p0 [sflag:s0], s1  }
0xc8: {  	s1 =	ssub.s32 @!p0 $0x0, s1;
	[sflag:s0] =	ssyncset.done @!p0 $0x0  }
0xc9: {  	[sflag:s0] =	ssyncadd.s32 @!p0 s1  }
0xca: {  	[bflag:$0x3] =	sbarrier.arrive $0xFFFF  }
0xcb: {  	_ =	shalt  }

</sc_bundles>
